<compile_context>
chip_gen: v7x
topology: tpu7x:2x2x1
jax: 0.10.2.dev20260603
libtpu: 0.0.44.dev20260713+nightly
codegen_flags: <defaults>
</compile_context>

<pallas_src>
import functools

import jax
import jax.numpy as jnp
from jax import lax
from jax.experimental import pallas as pl
from jax.experimental.pallas import tpu as pltpu
from jax.experimental.pallas import tpu_sc as plsc

N = 10000
E = 160000
D = 256
H = 32

NW = 32
CH = 128
NCHUNK = 40
EPT = CH * NCHUNK
EP = EPT * NW
NP = 10240
RPT = NP // 16
DUMMY = NP


def _deg_body(ei3, zeros1, out, dst_v, ones_v, acc):
    c = lax.axis_index("c")
    s = lax.axis_index("s")
    wid = c * 16 + s
    pltpu.sync_copy(ei3.at[1, wid], dst_v)
    for i in range(CH // 16):
        ones_v[pl.ds(16 * i, 16)] = jnp.full((16,), 1.0, jnp.float32)
    pltpu.sync_copy(zeros1.at[pl.ds(s * RPT, RPT)], acc.at[pl.ds(s * RPT, RPT)])
    plsc.subcore_barrier()

    def body(j, _):
        pltpu.sync_copy(ones_v, acc.at[dst_v.at[j]], add=True)
        return ()

    lax.fori_loop(0, NCHUNK, body, ())
    plsc.subcore_barrier()
    pltpu.sync_copy(acc.at[pl.ds(s * RPT, RPT)], out.at[c, pl.ds(s * RPT, RPT)])



def _seg_body(table, ei3, zeros2, out, src_v, dst_v,
              rows0, rows1, rows2, rows3,
              acc, tab_sh, g0, g1, g2, g3, s0, s1, s2, s3):
    c = lax.axis_index("c")
    s = lax.axis_index("s")
    wid = c * 16 + s
    st0 = pltpu.async_copy(ei3.at[0, wid], src_v, g0)
    st1 = pltpu.async_copy(ei3.at[1, wid], dst_v, g1)
    st2 = pltpu.async_copy(zeros2.at[pl.ds(s * RPT, RPT)],
                           acc.at[pl.ds(s * RPT, RPT)], g2)
    st3 = pltpu.async_copy(table.at[pl.ds(s * RPT, RPT), pl.ds(0, H)],
                           tab_sh.at[pl.ds(s * RPT, RPT)], g3)
    st0.wait()
    st1.wait()
    st2.wait()
    st3.wait()
    plsc.subcore_barrier()

    bufs = (rows0, rows1, rows2, rows3)
    gsem = (g0, g1, g2, g3)
    ssem = (s0, s1, s2, s3)
    NB = 4
    NO = NCHUNK // NB

    pltpu.async_copy(tab_sh.at[src_v.at[0]], bufs[0], gsem[0])
    pltpu.async_copy(tab_sh.at[src_v.at[1]], bufs[1], gsem[1])

    def body(o, _):
        for b in range(NB):
            j = NB * o + b
            bb = (b + 2) % NB
            pltpu.make_async_copy(tab_sh.at[src_v.at[j]], bufs[b],
                                  gsem[b]).wait()
            pltpu.async_copy(bufs[b], acc.at[dst_v.at[j]], ssem[b], add=True)

            def wait_sc():
                pltpu.make_async_copy(bufs[bb], acc.at[dst_v.at[j]],
                                      ssem[bb]).wait()

            def start_g():
                pltpu.async_copy(tab_sh.at[src_v.at[j + 2]], bufs[bb],
                                 gsem[bb])

            if b < 2:
                pl.when(o > 0)(wait_sc)
                start_g()
            else:
                wait_sc()
                pl.when(o < NO - 1)(start_g)
        return ()

    lax.fori_loop(0, NO, body, ())
    pltpu.make_async_copy(bufs[2], acc.at[dst_v.at[NCHUNK - 2]],
                          ssem[2]).wait()
    pltpu.make_async_copy(bufs[3], acc.at[dst_v.at[NCHUNK - 1]],
                          ssem[3]).wait()
    plsc.subcore_barrier()
    pltpu.sync_copy(acc.at[pl.ds(s * RPT, RPT)],
                    out.at[c, pl.ds(s * RPT, RPT), pl.ds(0, H)])


@functools.lru_cache(maxsize=None)
def _sc_kernels():
    mesh = plsc.VectorSubcoreMesh(core_axis_name="c", subcore_axis_name="s")
    deg = pl.kernel(
        _deg_body,
        out_type=jax.ShapeDtypeStruct((2, NP), jnp.float32),
        mesh=mesh,
        scratch_types=[
            pltpu.VMEM((NCHUNK, CH), jnp.int32),
            pltpu.VMEM((CH,), jnp.float32),
            pltpu.VMEM_SHARED((NP + 8,), jnp.float32),
        ],
    )
    seg = pl.kernel(
        _seg_body,
        out_type=jax.ShapeDtypeStruct((2, NP, 128), jnp.float32),
        mesh=mesh,
        compiler_params=pltpu.CompilerParams(use_tc_tiling_on_sc=False),
        scratch_types=[
            pltpu.VMEM((NCHUNK, CH), jnp.int32),
            pltpu.VMEM((NCHUNK, CH), jnp.int32),
            pltpu.VMEM((CH, H), jnp.float32),
            pltpu.VMEM((CH, H), jnp.float32),
            pltpu.VMEM((CH, H), jnp.float32),
            pltpu.VMEM((CH, H), jnp.float32),
            pltpu.VMEM_SHARED((NP + 8, H), jnp.float32),
            pltpu.VMEM_SHARED((NP + 8, H), jnp.float32),
        ] + [pltpu.SemaphoreType.DMA] * 8,
    )
    return deg, seg




def _mask32(v):
    lanes = lax.broadcasted_iota(jnp.int32, v.shape, v.ndim - 1)
    return jnp.where(lanes < H, v, 0.0)


def _tc1_body(x_ref, w1p_ref, degp_ref, hs_ref, disb_ref):
    deg = degp_ref[0:1, :] + degp_ref[1:2, :] + 1.0
    dis_col = jnp.transpose(lax.rsqrt(deg))
    disb_ref[...] = jnp.broadcast_to(dis_col, (NP, H))
    dis128 = jnp.broadcast_to(dis_col[:N], (N, 128))
    xw = jnp.dot(x_ref[...], w1p_ref[...], preferred_element_type=jnp.float32)
    hs_ref[:N] = xw * dis128
    hs_ref[N:] = jnp.zeros((NP - N, 128), jnp.float32)


def _tc2_body(p1_ref, hs1_ref, disb_ref, b1p_ref, w2p_ref, out_ref):
    dis128 = jnp.broadcast_to(disb_ref[:N, 0:1], (N, 128))
    p1 = _mask32(p1_ref[0, :N] + p1_ref[1, :N])
    h1 = jnp.maximum(dis128 * (p1 + hs1_ref[:N]) + b1p_ref[...], 0.0)
    out_ref[:N] = jnp.dot(h1, w2p_ref[...],
                          preferred_element_type=jnp.float32) * dis128
    out_ref[N:] = jnp.zeros((NP - N, 128), jnp.float32)


def _tc3_body(p2_ref, hs2_ref, disb_ref, b2p_ref, wap_ref, bap_ref,
              wfp_ref, bfp_ref, wdp_ref, bd_ref, out_ref):
    dis128 = jnp.broadcast_to(disb_ref[:N, 0:1], (N, 128))
    p2 = _mask32(p2_ref[0, :N] + p2_ref[1, :N])
    h2 = jnp.maximum(dis128 * (p2 + hs2_ref[:N]) + b2p_ref[...], 0.0)
    za = jnp.dot(h2, wap_ref[...], preferred_element_type=jnp.float32) + bap_ref[...]
    attn = 1.0 / (1.0 + jnp.exp(-za))
    feat = jnp.dot(h2, wfp_ref[...], preferred_element_type=jnp.float32) + bfp_ref[...]
    pooled = jnp.sum(attn * feat, axis=0, keepdims=True)
    out_ref[...] = jnp.dot(pooled, wdp_ref[...],
                           preferred_element_type=jnp.float32) + bd_ref[...]


def kernel(x, edge_index, W1, b1, W2, b2, Wa, ba, Wf, bf, Wd, bd):
    f32 = jnp.float32
    ei3 = jnp.pad(edge_index, ((0, 0), (0, EP - E)),
                  constant_values=DUMMY).reshape(2, NW, NCHUNK, CH)
    zeros1 = jnp.zeros((NP,), f32)
    zeros2 = jnp.zeros((NP, H), f32)

    W1p = jnp.pad(W1, ((0, 0), (0, 128 - H)))
    W2p = jnp.pad(W2, ((0, 128 - H), (0, 128 - H)))
    Wap = jnp.pad(Wa, ((0, 128 - H), (0, 128 - H)))
    Wfp = jnp.pad(Wf, ((0, 128 - H), (0, 128 - H)))
    Wdp = jnp.pad(Wd, ((0, 128 - H), (0, 0)))
    b1p = jnp.pad(b1, (0, 128 - H)).reshape(1, 128)
    b2p = jnp.pad(b2, (0, 128 - H)).reshape(1, 128)
    bap = jnp.pad(ba, (0, 128 - H)).reshape(1, 128)
    bfp = jnp.pad(bf, (0, 128 - H)).reshape(1, 128)

    _deg_kernel, _seg_kernel = _sc_kernels()
    degp = _deg_kernel(ei3, zeros1)

    hs1, disb = pl.pallas_call(
        _tc1_body,
        out_shape=[jax.ShapeDtypeStruct((NP, 128), f32),
                   jax.ShapeDtypeStruct((NP, H), f32)],
    )(x, W1p, degp)

    P1 = _seg_kernel(hs1, ei3, zeros2)

    hs2 = pl.pallas_call(
        _tc2_body,
        out_shape=jax.ShapeDtypeStruct((NP, 128), f32),
    )(P1, hs1, disb, b1p, W2p)

    P2 = _seg_kernel(hs2, ei3, zeros2)

    out = pl.pallas_call(
        _tc3_body,
        out_shape=jax.ShapeDtypeStruct((1, 1), f32),
    )(P2, hs2, disb, b2p, Wap, bap, Wfp, bfp, Wdp, bd.reshape(1, 1))
    return out

# --- scband reference (transcript-rebuilt; emitter-appended) ---
"""Pipeline reference for scband-graph-model-85538568667607 (READ-ONLY COPY).

The authoritative reference and input builder live on the scoring server;
editing this copy changes nothing except your own understanding.
"""

import jax, jax.numpy as jnp
import numpy as np

N = 10000
E = 160000
D = 256
H = 32

def setup_inputs(seed: int = 0):
    key = jax.random.key(seed)
    ks = jax.random.split(key, 12)
    x = jax.random.normal(ks[0], (N, D), dtype=jnp.float32)
    edge_index = jax.random.randint(ks[1], (2, E), 0, N, dtype=jnp.int32)
    W1 = jax.random.normal(ks[2], (D, H), dtype=jnp.float32) * (1.0 / np.sqrt(D))
    b1 = jnp.zeros((H,), dtype=jnp.float32)
    W2 = jax.random.normal(ks[3], (H, H), dtype=jnp.float32) * (1.0 / np.sqrt(H))
    b2 = jnp.zeros((H,), dtype=jnp.float32)
    Wa = jax.random.normal(ks[4], (H, H), dtype=jnp.float32) * (1.0 / np.sqrt(H))
    ba = jnp.zeros((H,), dtype=jnp.float32)
    Wf = jax.random.normal(ks[5], (H, H), dtype=jnp.float32) * (1.0 / np.sqrt(H))
    bf = jnp.zeros((H,), dtype=jnp.float32)
    Wd = jax.random.normal(ks[6], (H, 1), dtype=jnp.float32) * (1.0 / np.sqrt(H))
    bd = jnp.zeros((1,), dtype=jnp.float32)
    return {"x": x, "edge_index": edge_index, "W1": W1, "b1": b1, "W2": W2, "b2": b2,
            "Wa": Wa, "ba": ba, "Wf": Wf, "bf": bf, "Wd": Wd, "bd": bd}

def reference(x, edge_index, W1, b1, W2, b2, Wa, ba, Wf, bf, Wd, bd):
    src = edge_index[0]
    dst = edge_index[1]
    # GCN symmetric normalization with self-loops: A_hat = D^-1/2 (A + I) D^-1/2
    deg = jax.ops.segment_sum(jnp.ones((E,), dtype=jnp.float32), dst, num_segments=N) + 1.0
    dis = jax.lax.rsqrt(deg)
    coef = (dis[src] * dis[dst])[:, None]
    self_coef = (dis * dis)[:, None]

    def gcn_conv(h, W, b):
        h = h @ W
        msgs = h[src] * coef
        agg = jax.ops.segment_sum(msgs, dst, num_segments=N)
        agg = agg + h * self_coef  # self-loop contribution
        return jax.nn.relu(agg + b)

    h = gcn_conv(x, W1, b1)
    h = gcn_conv(h, W2, b2)
    # GlobalAttentionPool(32): sigmoid-gated feature sum over nodes
    attn = jax.nn.sigmoid(h @ Wa + ba)
    feat = h @ Wf + bf
    pooled = jnp.sum(attn * feat, axis=0, keepdims=True)  # [1, 32]
    # Dropout is identity at inference
    out = pooled @ Wd + bd  # [1, 1]
    return out

if __name__ == "__main__":
    import jax
    _d = setup_inputs()
    print(jax.jit(kernel)(*tuple(_d.values())))

</pallas_src>

<mosaic_0001>
#map = affine_map<(d0, d1) -> (0, 0, 0, 0)>
#map1 = affine_map<(d0, d1) -> (0)>
#map2 = affine_map<(d0, d1) -> (0, 0)>
module attributes {stable_mosaic.version = 14 : i64} {
  func.func @_deg_body(%arg0: i32, %arg1: i32, %arg2: memref<2x32x40x128xi32, #tpu.memory_space<hbm>>, %arg3: memref<10240xf32, #tpu.memory_space<hbm>>, %arg4: memref<2x10240xf32, #tpu.memory_space<hbm>>, %arg5: memref<40x128xi32, #tpu.memory_space<vmem>>, %arg6: memref<128xf32, #tpu.memory_space<vmem>>, %arg7: memref<10248xf32, #tpu.memory_space<vmem_shared>>) attributes {dimension_semantics = [#tpu.dimension_semantics<core_parallel>, #tpu.dimension_semantics<subcore_parallel>], iteration_bounds = array<i64: 2, 16>, scalar_prefetch = 0 : i64, scratch_operands = 3 : i64, tpu.core_type = #tpu.core_type<sc_vector_subcore>, window_params = [{transform_indices = #map}, {transform_indices = #map1}, {transform_indices = #map2}]} {
    %mul3A = arith.constant 16 : i32
    %mul3A_0 = arith.muli %arg0, %mul3A : i32
    %add3A = arith.addi %mul3A_0, %arg1 : i32
    %run_scoped3A = arith.constant 1 : i32
    "tpu.region"() ({
      %run_scoped3A_60 = tpu.sem_alloc : memref<!tpu.dma_semaphore, #tpu.memory_space<semaphore_mem>>
      %dma_start3A = arith.constant 0 : i32
      %dma_start3A_61 = arith.constant 0 : i32
      %dma_start3A_62 = tpu.memref_slice %arg2[%run_scoped3A, %add3A, %dma_start3A, %dma_start3A_61] : memref<2x32x40x128xi32, #tpu.memory_space<hbm>> -> memref<1x1x40x128xi32, #tpu.memory_space<hbm>>
      %dma_start3A_63 = tpu.memref_squeeze %dma_start3A_62 : memref<1x1x40x128xi32, #tpu.memory_space<hbm>> -> memref<40x128xi32, #tpu.memory_space<hbm>>
      %dma_start3A_64 = arith.constant 0 : i32
      %dma_start3A_65 = arith.constant 0 : i32
      %dma_start3A_66 = tpu.memref_slice %arg2[%run_scoped3A, %add3A, %dma_start3A_64, %dma_start3A_65] : memref<2x32x40x128xi32, #tpu.memory_space<hbm>> -> memref<1x1x40x128xi32, #tpu.memory_space<hbm>>
      %dma_start3A_67 = tpu.memref_squeeze %dma_start3A_66 : memref<1x1x40x128xi32, #tpu.memory_space<hbm>> -> memref<40x128xi32, #tpu.memory_space<hbm>>
      tpu.enqueue_dma source(%dma_start3A_67 : memref<40x128xi32, #tpu.memory_space<hbm>>) target(%arg5 : memref<40x128xi32, #tpu.memory_space<vmem>>) target_semaphore(%run_scoped3A_60 : memref<!tpu.dma_semaphore, #tpu.memory_space<semaphore_mem>>)
      %dma_wait3A = arith.constant 0 : i32
      %dma_wait3A_68 = arith.constant 0 : i32
      %dma_wait3A_69 = tpu.memref_slice %arg2[%run_scoped3A, %add3A, %dma_wait3A, %dma_wait3A_68] : memref<2x32x40x128xi32, #tpu.memory_space<hbm>> -> memref<1x1x40x128xi32, #tpu.memory_space<hbm>>
      %dma_wait3A_70 = tpu.memref_squeeze %dma_wait3A_69 : memref<1x1x40x128xi32, #tpu.memory_space<hbm>> -> memref<40x128xi32, #tpu.memory_space<hbm>>
      %dma_wait3A_71 = arith.constant 0 : i32
      %dma_wait3A_72 = arith.constant 0 : i32
      %dma_wait3A_73 = tpu.memref_slice %arg2[%run_scoped3A, %add3A, %dma_wait3A_71, %dma_wait3A_72] : memref<2x32x40x128xi32, #tpu.memory_space<hbm>> -> memref<1x1x40x128xi32, #tpu.memory_space<hbm>>
      %dma_wait3A_74 = tpu.memref_squeeze %dma_wait3A_73 : memref<1x1x40x128xi32, #tpu.memory_space<hbm>> -> memref<40x128xi32, #tpu.memory_space<hbm>>
      tpu.wait_dma2 semaphore(%run_scoped3A_60 : memref<!tpu.dma_semaphore, #tpu.memory_space<semaphore_mem>>) src(%dma_wait3A_74 : memref<40x128xi32, #tpu.memory_space<hbm>>) dst(%arg5 : memref<40x128xi32, #tpu.memory_space<vmem>>)
      tpu.yield
    }) : () -> ()
    %broadcast_in_dim3A = arith.constant 1.000000e+00 : f32
    %broadcast_in_dim3A_1 = vector.broadcast %broadcast_in_dim3A : f32 to vector<16xf32>
    %swap3A = arith.constant 0 : index
    %swap3A_2 = tpu.vector_load %arg6[%swap3A] {strides = array<i32>} : memref<128xf32, #tpu.memory_space<vmem>>, vector<16xf32>,
    %swap3A_3 = vector.shape_cast %swap3A_2 : vector<16xf32> to vector<16xf32>
    %swap3A_4 = vector.shape_cast %broadcast_in_dim3A_1 : vector<16xf32> to vector<16xf32>
    tpu.vector_store %arg6[%swap3A], %swap3A_4 {strides = array<i32>} : memref<128xf32, #tpu.memory_space<vmem>>, vector<16xf32>,
    %broadcast_in_dim3A_5 = arith.constant 1.000000e+00 : f32
    %broadcast_in_dim3A_6 = vector.broadcast %broadcast_in_dim3A_5 : f32 to vector<16xf32>
    %swap3A_7 = arith.constant 16 : index
    %swap3A_8 = tpu.vector_load %arg6[%swap3A_7] {strides = array<i32>} : memref<128xf32, #tpu.memory_space<vmem>>, vector<16xf32>,
    %swap3A_9 = vector.shape_cast %swap3A_8 : vector<16xf32> to vector<16xf32>
    %swap3A_10 = vector.shape_cast %broadcast_in_dim3A_6 : vector<16xf32> to vector<16xf32>
    tpu.vector_store %arg6[%swap3A_7], %swap3A_10 {strides = array<i32>} : memref<128xf32, #tpu.memory_space<vmem>>, vector<16xf32>,
    %broadcast_in_dim3A_11 = arith.constant 1.000000e+00 : f32
    %broadcast_in_dim3A_12 = vector.broadcast %broadcast_in_dim3A_11 : f32 to vector<16xf32>
    %swap3A_13 = arith.constant 32 : index
    %swap3A_14 = tpu.vector_load %arg6[%swap3A_13] {strides = array<i32>} : memref<128xf32, #tpu.memory_space<vmem>>, vector<16xf32>,
    %swap3A_15 = vector.shape_cast %swap3A_14 : vector<16xf32> to vector<16xf32>
    %swap3A_16 = vector.shape_cast %broadcast_in_dim3A_12 : vector<16xf32> to vector<16xf32>
    tpu.vector_store %arg6[%swap3A_13], %swap3A_16 {strides = array<i32>} : memref<128xf32, #tpu.memory_space<vmem>>, vector<16xf32>,
    %broadcast_in_dim3A_17 = arith.constant 1.000000e+00 : f32
    %broadcast_in_dim3A_18 = vector.broadcast %broadcast_in_dim3A_17 : f32 to vector<16xf32>
    %swap3A_19 = arith.constant 48 : index
    %swap3A_20 = tpu.vector_load %arg6[%swap3A_19] {strides = array<i32>} : memref<128xf32, #tpu.memory_space<vmem>>, vector<16xf32>,
    %swap3A_21 = vector.shape_cast %swap3A_20 : vector<16xf32> to vector<16xf32>
    %swap3A_22 = vector.shape_cast %broadcast_in_dim3A_18 : vector<16xf32> to vector<16xf32>
    tpu.vector_store %arg6[%swap3A_19], %swap3A_22 {strides = array<i32>} : memref<128xf32, #tpu.memory_space<vmem>>, vector<16xf32>,
    %broadcast_in_dim3A_23 = arith.constant 1.000000e+00 : f32
    %broadcast_in_dim3A_24 = vector.broadcast %broadcast_in_dim3A_23 : f32 to vector<16xf32>
    %swap3A_25 = arith.constant 64 : index
    %swap3A_26 = tpu.vector_load %arg6[%swap3A_25] {strides = array<i32>} : memref<128xf32, #tpu.memory_space<vmem>>, vector<16xf32>,
    %swap3A_27 = vector.shape_cast %swap3A_26 : vector<16xf32> to vector<16xf32>
    %swap3A_28 = vector.shape_cast %broadcast_in_dim3A_24 : vector<16xf32> to vector<16xf32>
    tpu.vector_store %arg6[%swap3A_25], %swap3A_28 {strides = array<i32>} : memref<128xf32, #tpu.memory_space<vmem>>, vector<16xf32>,
    %broadcast_in_dim3A_29 = arith.constant 1.000000e+00 : f32
    %broadcast_in_dim3A_30 = vector.broadcast %broadcast_in_dim3A_29 : f32 to vector<16xf32>
    %swap3A_31 = arith.constant 80 : index
    %swap3A_32 = tpu.vector_load %arg6[%swap3A_31] {strides = array<i32>} : memref<128xf32, #tpu.memory_space<vmem>>, vector<16xf32>,
    %swap3A_33 = vector.shape_cast %swap3A_32 : vector<16xf32> to vector<16xf32>
    %swap3A_34 = vector.shape_cast %broadcast_in_dim3A_30 : vector<16xf32> to vector<16xf32>
    tpu.vector_store %arg6[%swap3A_31], %swap3A_34 {strides = array<i32>} : memref<128xf32, #tpu.memory_space<vmem>>, vector<16xf32>,
    %broadcast_in_dim3A_35 = arith.constant 1.000000e+00 : f32
    %broadcast_in_dim3A_36 = vector.broadcast %broadcast_in_dim3A_35 : f32 to vector<16xf32>
    %swap3A_37 = arith.constant 96 : index
    %swap3A_38 = tpu.vector_load %arg6[%swap3A_37] {strides = array<i32>} : memref<128xf32, #tpu.memory_space<vmem>>, vector<16xf32>,
    %swap3A_39 = vector.shape_cast %swap3A_38 : vector<16xf32> to vector<16xf32>
    %swap3A_40 = vector.shape_cast %broadcast_in_dim3A_36 : vector<16xf32> to vector<16xf32>
    tpu.vector_store %arg6[%swap3A_37], %swap3A_40 {strides = array<i32>} : memref<128xf32, #tpu.memory_space<vmem>>, vector<16xf32>,
    %broadcast_in_dim3A_41 = arith.constant 1.000000e+00 : f32
    %broadcast_in_dim3A_42 = vector.broadcast %broadcast_in_dim3A_41 : f32 to vector<16xf32>
    %swap3A_43 = arith.constant 112 : index
    %swap3A_44 = tpu.vector_load %arg6[%swap3A_43] {strides = array<i32>} : memref<128xf32, #tpu.memory_space<vmem>>, vector<16xf32>,
    %swap3A_45 = vector.shape_cast %swap3A_44 : vector<16xf32> to vector<16xf32>
    %swap3A_46 = vector.shape_cast %broadcast_in_dim3A_42 : vector<16xf32> to vector<16xf32>
    tpu.vector_store %arg6[%swap3A_43], %swap3A_46 {strides = array<i32>} : memref<128xf32, #tpu.memory_space<vmem>>, vector<16xf32>,
    %mul3A_47 = arith.constant 640 : i32
    %mul3A_48 = arith.muli %arg1, %mul3A_47 : i32
    %mul3A_49 = arith.constant 640 : i32
    %mul3A_50 = arith.muli %arg1, %mul3A_49 : i32
    "tpu.region"() ({
      %run_scoped3A_60 = tpu.sem_alloc : memref<!tpu.dma_semaphore, #tpu.memory_space<semaphore_mem>>
      %dma_start3A = tpu.memref_slice %arg7[%mul3A_50] : memref<10248xf32, #tpu.memory_space<vmem_shared>> -> memref<640xf32, #tpu.memory_space<vmem_shared>>
      %dma_start3A_61 = tpu.memref_slice %arg3[%mul3A_48] : memref<10240xf32, #tpu.memory_space<hbm>> -> memref<640xf32, #tpu.memory_space<hbm>>
      tpu.enqueue_dma source(%dma_start3A_61 : memref<640xf32, #tpu.memory_space<hbm>>) target(%dma_start3A : memref<640xf32, #tpu.memory_space<vmem_shared>>) target_semaphore(%run_scoped3A_60 : memref<!tpu.dma_semaphore, #tpu.memory_space<semaphore_mem>>)
      %dma_wait3A = tpu.memref_slice %arg7[%mul3A_50] : memref<10248xf32, #tpu.memory_space<vmem_shared>> -> memref<640xf32, #tpu.memory_space<vmem_shared>>
      %dma_wait3A_62 = tpu.memref_slice %arg3[%mul3A_48] : memref<10240xf32, #tpu.memory_space<hbm>> -> memref<640xf32, #tpu.memory_space<hbm>>
      tpu.wait_dma2 semaphore(%run_scoped3A_60 : memref<!tpu.dma_semaphore, #tpu.memory_space<semaphore_mem>>) src(%dma_wait3A_62 : memref<640xf32, #tpu.memory_space<hbm>>) dst(%dma_wait3A : memref<640xf32, #tpu.memory_space<vmem_shared>>)
      tpu.yield
    }) : () -> ()
    %barrier3A = arith.constant 0 : index
    tpu.barrier barrier_id(%barrier3A)
    %scan3A = arith.constant 0 : i32
    %scan3A_51 = arith.constant 40 : i32
    %scan3A_52 = arith.addi %scan3A, %scan3A_51 : i32
    %scan3A_53 = arith.constant 1 : i32
    scf.for %scan3A_60 = %scan3A to %scan3A_52 step %scan3A_53  : i32 {
      "tpu.region"() ({
        %run_scoped3A_61 = tpu.sem_alloc : memref<!tpu.dma_semaphore, #tpu.memory_space<semaphore_mem>>
        %dma_start3A = arith.constant 0 : i32
        %dma_start3A_62 = tpu.memref_slice %arg5[%scan3A_60, %dma_start3A] : memref<40x128xi32, #tpu.memory_space<vmem>> -> memref<1x128xi32, #tpu.memory_space<vmem>>
        %dma_start3A_63 = tpu.memref_squeeze %dma_start3A_62 : memref<1x128xi32, #tpu.memory_space<vmem>> -> memref<128xi32, #tpu.memory_space<vmem>>
        %dma_start3A_64 = arith.constant 0 : i32
        %dma_start3A_65 = tpu.memref_slice %arg7[%dma_start3A_64] : memref<10248xf32, #tpu.memory_space<vmem_shared>> -> memref<10248xf32, #tpu.memory_space<vmem_shared>>
        tpu.enqueue_indirect_dma source(%arg6 : memref<128xf32, #tpu.memory_space<vmem>>) target(%dma_start3A_65 : memref<10248xf32, #tpu.memory_space<vmem_shared>>) offsets(%dma_start3A_63 : memref<128xi32, #tpu.memory_space<vmem>>) semaphore(%run_scoped3A_61 : memref<!tpu.dma_semaphore, #tpu.memory_space<semaphore_mem>>) {add = true}
        %dma_wait3A = arith.constant 0 : i32
        %dma_wait3A_66 = tpu.memref_slice %arg5[%scan3A_60, %dma_wait3A] : memref<40x128xi32, #tpu.memory_space<vmem>> -> memref<1x128xi32, #tpu.memory_space<vmem>>
        %dma_wait3A_67 = tpu.memref_squeeze %dma_wait3A_66 : memref<1x128xi32, #tpu.memory_space<vmem>> -> memref<128xi32, #tpu.memory_space<vmem>>
        %dma_wait3A_68 = arith.constant 0 : i32
        %dma_wait3A_69 = tpu.memref_slice %arg7[%dma_wait3A_68] : memref<10248xf32, #tpu.memory_space<vmem_shared>> -> memref<10248xf32, #tpu.memory_space<vmem_shared>>
        tpu.wait_indirect_dma semaphore(%run_scoped3A_61 : memref<!tpu.dma_semaphore, #tpu.memory_space<semaphore_mem>>) src(%arg6 : memref<128xf32, #tpu.memory_space<vmem>>) dst(%dma_wait3A_69 : memref<10248xf32, #tpu.memory_space<vmem_shared>>)
        tpu.yield
      }) : () -> ()
    }
    %scan3A_54 = arith.constant 40 : i32
    %barrier3A_55 = arith.constant 0 : index
    tpu.barrier barrier_id(%barrier3A_55)
    %mul3A_56 = arith.constant 640 : i32
    %mul3A_57 = arith.muli %arg1, %mul3A_56 : i32
    %mul3A_58 = arith.constant 640 : i32
    %mul3A_59 = arith.muli %arg1, %mul3A_58 : i32
    "tpu.region"() ({
      %run_scoped3A_60 = tpu.sem_alloc : memref<!tpu.dma_semaphore, #tpu.memory_space<semaphore_mem>>
      %dma_start3A = tpu.memref_slice %arg4[%arg0, %mul3A_59] : memref<2x10240xf32, #tpu.memory_space<hbm>> -> memref<1x640xf32, #tpu.memory_space<hbm>>
      %dma_start3A_61 = tpu.memref_squeeze %dma_start3A : memref<1x640xf32, #tpu.memory_space<hbm>> -> memref<640xf32, #tpu.memory_space<hbm>>
      %dma_start3A_62 = tpu.memref_slice %arg7[%mul3A_57] : memref<10248xf32, #tpu.memory_space<vmem_shared>> -> memref<640xf32, #tpu.memory_space<vmem_shared>>
      tpu.enqueue_dma source(%dma_start3A_62 : memref<640xf32, #tpu.memory_space<vmem_shared>>) target(%dma_start3A_61 : memref<640xf32, #tpu.memory_space<hbm>>) target_semaphore(%run_scoped3A_60 : memref<!tpu.dma_semaphore, #tpu.memory_space<semaphore_mem>>)
      %dma_wait3A = tpu.memref_slice %arg4[%arg0, %mul3A_59] : memref<2x10240xf32, #tpu.memory_space<hbm>> -> memref<1x640xf32, #tpu.memory_space<hbm>>
      %dma_wait3A_63 = tpu.memref_squeeze %dma_wait3A : memref<1x640xf32, #tpu.memory_space<hbm>> -> memref<640xf32, #tpu.memory_space<hbm>>
      %dma_wait3A_64 = tpu.memref_slice %arg7[%mul3A_57] : memref<10248xf32, #tpu.memory_space<vmem_shared>> -> memref<640xf32, #tpu.memory_space<vmem_shared>>
      tpu.wait_dma2 semaphore(%run_scoped3A_60 : memref<!tpu.dma_semaphore, #tpu.memory_space<semaphore_mem>>) src(%dma_wait3A_64 : memref<640xf32, #tpu.memory_space<vmem_shared>>) dst(%dma_wait3A_63 : memref<640xf32, #tpu.memory_space<hbm>>)
      tpu.yield
    }) : () -> ()
    return
  }
}

#map = affine_map<(d0, d1) -> (0, 0)>
#map1 = affine_map<(d0, d1) -> (0, 0, 0, 0)>
#map2 = affine_map<(d0, d1) -> (0, 0, 0)>
module attributes {stable_mosaic.version = 14 : i64} {
  func.func @_seg_body(%arg0: i32, %arg1: i32, %arg2: memref<10240x128xf32, #tpu.memory_space<hbm>>, %arg3: memref<2x32x40x128xi32, #tpu.memory_space<hbm>>, %arg4: memref<10240x32xf32, #tpu.memory_space<hbm>>, %arg5: memref<2x10240x128xf32, #tpu.memory_space<hbm>>, %arg6: memref<40x128xi32, #tpu.memory_space<vmem>>, %arg7: memref<40x128xi32, #tpu.memory_space<vmem>>, %arg8: memref<128x32xf32, #tpu.memory_space<vmem>>, %arg9: memref<128x32xf32, #tpu.memory_space<vmem>>, %arg10: memref<128x32xf32, #tpu.memory_space<vmem>>, %arg11: memref<128x32xf32, #tpu.memory_space<vmem>>, %arg12: memref<10248x32xf32, #tpu.memory_space<vmem_shared>>, %arg13: memref<10248x32xf32, #tpu.memory_space<vmem_shared>>, %arg14: memref<!tpu.dma_semaphore, #tpu.memory_space<semaphore_mem>>, %arg15: memref<!tpu.dma_semaphore, #tpu.memory_space<semaphore_mem>>, %arg16: memref<!tpu.dma_semaphore, #tpu.memory_space<semaphore_mem>>, %arg17: memref<!tpu.dma_semaphore, #tpu.memory_space<semaphore_mem>>, %arg18: memref<!tpu.dma_semaphore, #tpu.memory_space<semaphore_mem>>, %arg19: memref<!tpu.dma_semaphore, #tpu.memory_space<semaphore_mem>>, %arg20: memref<!tpu.dma_semaphore, #tpu.memory_space<semaphore_mem>>, %arg21: memref<!tpu.dma_semaphore, #tpu.memory_space<semaphore_mem>>) attributes {dimension_semantics = [#tpu.dimension_semantics<core_parallel>, #tpu.dimension_semantics<subcore_parallel>], iteration_bounds = array<i64: 2, 16>, scalar_prefetch = 0 : i64, scratch_operands = 16 : i64, tpu.core_type = #tpu.core_type<sc_vector_subcore>, window_params = [{transform_indices = #map}, {transform_indices = #map1}, {transform_indices = #map}, {transform_indices = #map2}]} {
    %mul3A = arith.constant 16 : i32
    %mul3A_0 = arith.muli %arg0, %mul3A : i32
    %add3A = arith.addi %mul3A_0, %arg1 : i32
    %dma_start3A = arith.constant 0 : i32
    %dma_start3A_1 = arith.constant 0 : i32
    %dma_start3A_2 = arith.constant 0 : i32
    %dma_start3A_3 = tpu.memref_slice %arg3[%dma_start3A, %add3A, %dma_start3A_1, %dma_start3A_2] : memref<2x32x40x128xi32, #tpu.memory_space<hbm>> -> memref<1x1x40x128xi32, #tpu.memory_space<hbm>>
    %dma_start3A_4 = tpu.memref_squeeze %dma_start3A_3 : memref<1x1x40x128xi32, #tpu.memory_space<hbm>> -> memref<40x128xi32, #tpu.memory_space<hbm>>
    %dma_start3A_5 = arith.constant 0 : i32
    %dma_start3A_6 = arith.constant 0 : i32
    %dma_start3A_7 = tpu.memref_slice %arg3[%dma_start3A, %add3A, %dma_start3A_5, %dma_start3A_6] : memref<2x32x40x128xi32, #tpu.memory_space<hbm>> -> memref<1x1x40x128xi32, #tpu.memory_space<hbm>>
    %dma_start3A_8 = tpu.memref_squeeze %dma_start3A_7 : memref<1x1x40x128xi32, #tpu.memory_space<hbm>> -> memref<40x128xi32, #tpu.memory_space<hbm>>
    tpu.enqueue_dma source(%dma_start3A_8 : memref<40x128xi32, #tpu.memory_space<hbm>>) target(%arg6 : memref<40x128xi32, #tpu.memory_space<vmem>>) target_semaphore(%arg14 : memref<!tpu.dma_semaphore, #tpu.memory_space<semaphore_mem>>)
    %dma_start3A_9 = arith.constant 1 : i32
    %dma_start3A_10 = arith.constant 0 : i32
    %dma_start3A_11 = arith.constant 0 : i32
    %dma_start3A_12 = tpu.memref_slice %arg3[%dma_start3A_9, %add3A, %dma_start3A_10, %dma_start3A_11] : memref<2x32x40x128xi32, #tpu.memory_space<hbm>> -> memref<1x1x40x128xi32, #tpu.memory_space<hbm>>
    %dma_start3A_13 = tpu.memref_squeeze %dma_start3A_12 : memref<1x1x40x128xi32, #tpu.memory_space<hbm>> -> memref<40x128xi32, #tpu.memory_space<hbm>>
    %dma_start3A_14 = arith.constant 0 : i32
    %dma_start3A_15 = arith.constant 0 : i32
    %dma_start3A_16 = tpu.memref_slice %arg3[%dma_start3A_9, %add3A, %dma_start3A_14, %dma_start3A_15] : memref<2x32x40x128xi32, #tpu.memory_space<hbm>> -> memref<1x1x40x128xi32, #tpu.memory_space<hbm>>
    %dma_start3A_17 = tpu.memref_squeeze %dma_start3A_16 : memref<1x1x40x128xi32, #tpu.memory_space<hbm>> -> memref<40x128xi32, #tpu.memory_space<hbm>>
    tpu.enqueue_dma source(%dma_start3A_17 : memref<40x128xi32, #tpu.memory_space<hbm>>) target(%arg7 : memref<40x128xi32, #tpu.memory_space<vmem>>) target_semaphore(%arg15 : memref<!tpu.dma_semaphore, #tpu.memory_space<semaphore_mem>>)
    %mul3A_18 = arith.constant 640 : i32
    %mul3A_19 = arith.muli %arg1, %mul3A_18 : i32
    %mul3A_20 = arith.constant 640 : i32
    %mul3A_21 = arith.muli %arg1, %mul3A_20 : i32
    %dma_start3A_22 = arith.constant 0 : i32
    %dma_start3A_23 = tpu.memref_slice %arg12[%mul3A_21, %dma_start3A_22] : memref<10248x32xf32, #tpu.memory_space<vmem_shared>> -> memref<640x32xf32, #tpu.memory_space<vmem_shared>>
    %dma_start3A_24 = arith.constant 0 : i32
    %dma_start3A_25 = tpu.memref_slice %arg4[%mul3A_19, %dma_start3A_24] : memref<10240x32xf32, #tpu.memory_space<hbm>> -> memref<640x32xf32, #tpu.memory_space<hbm>>
    tpu.enqueue_dma source(%dma_start3A_25 : memref<640x32xf32, #tpu.memory_space<hbm>>) target(%dma_start3A_23 : memref<640x32xf32, #tpu.memory_space<vmem_shared>>) target_semaphore(%arg16 : memref<!tpu.dma_semaphore, #tpu.memory_space<semaphore_mem>>)
    %mul3A_26 = arith.constant 640 : i32
    %mul3A_27 = arith.muli %arg1, %mul3A_26 : i32
    %mul3A_28 = arith.constant 640 : i32
    %mul3A_29 = arith.muli %arg1, %mul3A_28 : i32
    %dma_start3A_30 = arith.constant 0 : i32
    %dma_start3A_31 = tpu.memref_slice %arg13[%mul3A_29, %dma_start3A_30] : memref<10248x32xf32, #tpu.memory_space<vmem_shared>> -> memref<640x32xf32, #tpu.memory_space<vmem_shared>>
    %dma_start3A_32 = arith.constant 0 : i32
    %dma_start3A_33 = tpu.memref_slice %arg2[%mul3A_27, %dma_start3A_32] : memref<10240x128xf32, #tpu.memory_space<hbm>> -> memref<640x32xf32, #tpu.memory_space<hbm>>
    tpu.enqueue_dma source(%dma_start3A_33 : memref<640x32xf32, #tpu.memory_space<hbm>>) target(%dma_start3A_31 : memref<640x32xf32, #tpu.memory_space<vmem_shared>>) target_semaphore(%arg17 : memref<!tpu.dma_semaphore, #tpu.memory_space<semaphore_mem>>)
    %dma_wait3A = arith.constant 0 : i32
    %dma_wait3A_34 = arith.constant 0 : i32
    %dma_wait3A_35 = arith.constant 0 : i32
    %dma_wait3A_36 = tpu.memref_slice %arg3[%dma_wait3A, %add3A, %dma_wait3A_34, %dma_wait3A_35] : memref<2x32x40x128xi32, #tpu.memory_space<hbm>> -> memref<1x1x40x128xi32, #tpu.memory_space<hbm>>
    %dma_wait3A_37 = tpu.memref_squeeze %dma_wait3A_36 : memref<1x1x40x128xi32, #tpu.memory_space<hbm>> -> memref<40x128xi32, #tpu.memory_space<hbm>>
    %dma_wait3A_38 = arith.constant 0 : i32
    %dma_wait3A_39 = arith.constant 0 : i32
    %dma_wait3A_40 = tpu.memref_slice %arg3[%dma_wait3A, %add3A, %dma_wait3A_38, %dma_wait3A_39] : memref<2x32x40x128xi32, #tpu.memory_space<hbm>> -> memref<1x1x40x128xi32, #tpu.memory_space<hbm>>
    %dma_wait3A_41 = tpu.memref_squeeze %dma_wait3A_40 : memref<1x1x40x128xi32, #tpu.memory_space<hbm>> -> memref<40x128xi32, #tpu.memory_space<hbm>>
    tpu.wait_dma2 semaphore(%arg14 : memref<!tpu.dma_semaphore, #tpu.memory_space<semaphore_mem>>) src(%dma_wait3A_41 : memref<40x128xi32, #tpu.memory_space<hbm>>) dst(%arg6 : memref<40x128xi32, #tpu.memory_space<vmem>>)
    %dma_wait3A_42 = arith.constant 1 : i32
    %dma_wait3A_43 = arith.constant 0 : i32
    %dma_wait3A_44 = arith.constant 0 : i32
    %dma_wait3A_45 = tpu.memref_slice %arg3[%dma_wait3A_42, %add3A, %dma_wait3A_43, %dma_wait3A_44] : memref<2x32x40x128xi32, #tpu.memory_space<hbm>> -> memref<1x1x40x128xi32, #tpu.memory_space<hbm>>
    %dma_wait3A_46 = tpu.memref_squeeze %dma_wait3A_45 : memref<1x1x40x128xi32, #tpu.memory_space<hbm>> -> memref<40x128xi32, #tpu.memory_space<hbm>>
    %dma_wait3A_47 = arith.constant 0 : i32
    %dma_wait3A_48 = arith.constant 0 : i32
    %dma_wait3A_49 = tpu.memref_slice %arg3[%dma_wait3A_42, %add3A, %dma_wait3A_47, %dma_wait3A_48] : memref<2x32x40x128xi32, #tpu.memory_space<hbm>> -> memref<1x1x40x128xi32, #tpu.memory_space<hbm>>
    %dma_wait3A_50 = tpu.memref_squeeze %dma_wait3A_49 : memref<1x1x40x128xi32, #tpu.memory_space<hbm>> -> memref<40x128xi32, #tpu.memory_space<hbm>>
    tpu.wait_dma2 semaphore(%arg15 : memref<!tpu.dma_semaphore, #tpu.memory_space<semaphore_mem>>) src(%dma_wait3A_50 : memref<40x128xi32, #tpu.memory_space<hbm>>) dst(%arg7 : memref<40x128xi32, #tpu.memory_space<vmem>>)
    %dma_wait3A_51 = arith.constant 0 : i32
    %dma_wait3A_52 = tpu.memref_slice %arg12[%mul3A_21, %dma_wait3A_51] : memref<10248x32xf32, #tpu.memory_space<vmem_shared>> -> memref<640x32xf32, #tpu.memory_space<vmem_shared>>
    %dma_wait3A_53 = arith.constant 0 : i32
    %dma_wait3A_54 = tpu.memref_slice %arg4[%mul3A_19, %dma_wait3A_53] : memref<10240x32xf32, #tpu.memory_space<hbm>> -> memref<640x32xf32, #tpu.memory_space<hbm>>
    tpu.wait_dma2 semaphore(%arg16 : memref<!tpu.dma_semaphore, #tpu.memory_space<semaphore_mem>>) src(%dma_wait3A_54 : memref<640x32xf32, #tpu.memory_space<hbm>>) dst(%dma_wait3A_52 : memref<640x32xf32, #tpu.memory_space<vmem_shared>>)
    %dma_wait3A_55 = arith.constant 0 : i32
    %dma_wait3A_56 = tpu.memref_slice %arg13[%mul3A_29, %dma_wait3A_55] : memref<10248x32xf32, #tpu.memory_space<vmem_shared>> -> memref<640x32xf32, #tpu.memory_space<vmem_shared>>
    %dma_wait3A_57 = arith.constant 0 : i32
    %dma_wait3A_58 = tpu.memref_slice %arg2[%mul3A_27, %dma_wait3A_57] : memref<10240x128xf32, #tpu.memory_space<hbm>> -> memref<640x32xf32, #tpu.memory_space<hbm>>
    tpu.wait_dma2 semaphore(%arg17 : memref<!tpu.dma_semaphore, #tpu.memory_space<semaphore_mem>>) src(%dma_wait3A_58 : memref<640x32xf32, #tpu.memory_space<hbm>>) dst(%dma_wait3A_56 : memref<640x32xf32, #tpu.memory_space<vmem_shared>>)
    %barrier3A = arith.constant 0 : index
    tpu.barrier barrier_id(%barrier3A)
    %dma_start3A_59 = arith.constant 0 : i32
    %dma_start3A_60 = arith.constant 0 : i32
    %dma_start3A_61 = tpu.memref_slice %arg6[%dma_start3A_59, %dma_start3A_60] : memref<40x128xi32, #tpu.memory_space<vmem>> -> memref<1x128xi32, #tpu.memory_space<vmem>>
    %dma_start3A_62 = tpu.memref_squeeze %dma_start3A_61 : memref<1x128xi32, #tpu.memory_space<vmem>> -> memref<128xi32, #tpu.memory_space<vmem>>
    %dma_start3A_63 = arith.constant 0 : i32
    %dma_start3A_64 = arith.constant 0 : i32
    %dma_start3A_65 = tpu.memref_slice %arg13[%dma_start3A_63, %dma_start3A_64] : memref<10248x32xf32, #tpu.memory_space<vmem_shared>> -> memref<10248x32xf32, #tpu.memory_space<vmem_shared>>
    tpu.enqueue_indirect_dma source(%dma_start3A_65 : memref<10248x32xf32, #tpu.memory_space<vmem_shared>>) target(%arg8 : memref<128x32xf32, #tpu.memory_space<vmem>>) offsets(%dma_start3A_62 : memref<128xi32, #tpu.memory_space<vmem>>) semaphore(%arg14 : memref<!tpu.dma_semaphore, #tpu.memory_space<semaphore_mem>>)
    %dma_start3A_66 = arith.constant 1 : i32
    %dma_start3A_67 = arith.constant 0 : i32
    %dma_start3A_68 = tpu.memref_slice %arg6[%dma_start3A_66, %dma_start3A_67] : memref<40x128xi32, #tpu.memory_space<vmem>> -> memref<1x128xi32, #tpu.memory_space<vmem>>
    %dma_start3A_69 = tpu.memref_squeeze %dma_start3A_68 : memref<1x128xi32, #tpu.memory_space<vmem>> -> memref<128xi32, #tpu.memory_space<vmem>>
    %dma_start3A_70 = arith.constant 0 : i32
    %dma_start3A_71 = arith.constant 0 : i32
    %dma_start3A_72 = tpu.memref_slice %arg13[%dma_start3A_70, %dma_start3A_71] : memref<10248x32xf32, #tpu.memory_space<vmem_shared>> -> memref<10248x32xf32, #tpu.memory_space<vmem_shared>>
    tpu.enqueue_indirect_dma source(%dma_start3A_72 : memref<10248x32xf32, #tpu.memory_space<vmem_shared>>) target(%arg9 : memref<128x32xf32, #tpu.memory_space<vmem>>) offsets(%dma_start3A_69 : memref<128xi32, #tpu.memory_space<vmem>>) semaphore(%arg15 : memref<!tpu.dma_semaphore, #tpu.memory_space<semaphore_mem>>)
    %scan3A = arith.constant 0 : i32
    %scan3A_73 = arith.constant 10 : i32
    %scan3A_74 = arith.addi %scan3A, %scan3A_73 : i32
    %scan3A_75 = arith.constant 1 : i32
    scf.for %scan3A_96 = %scan3A to %scan3A_74 step %scan3A_75  : i32 {
      %mul3A_97 = arith.constant 4 : i32
      %mul3A_98 = arith.muli %mul3A_97, %scan3A_96 : i32
      %add3A_99 = arith.constant 0 : i32
      %add3A_100 = arith.addi %mul3A_98, %add3A_99 : i32
      %dma_wait3A_101 = arith.constant 0 : i32
      %dma_wait3A_102 = tpu.memref_slice %arg6[%add3A_100, %dma_wait3A_101] : memref<40x128xi32, #tpu.memory_space<vmem>> -> memref<1x128xi32, #tpu.memory_space<vmem>>
      %dma_wait3A_103 = tpu.memref_squeeze %dma_wait3A_102 : memref<1x128xi32, #tpu.memory_space<vmem>> -> memref<128xi32, #tpu.memory_space<vmem>>
      %dma_wait3A_104 = arith.constant 0 : i32
      %dma_wait3A_105 = arith.constant 0 : i32
      %dma_wait3A_106 = tpu.memref_slice %arg13[%dma_wait3A_104, %dma_wait3A_105] : memref<10248x32xf32, #tpu.memory_space<vmem_shared>> -> memref<10248x32xf32, #tpu.memory_space<vmem_shared>>
      tpu.wait_indirect_dma semaphore(%arg14 : memref<!tpu.dma_semaphore, #tpu.memory_space<semaphore_mem>>) src(%dma_wait3A_106 : memref<10248x32xf32, #tpu.memory_space<vmem_shared>>) dst(%arg8 : memref<128x32xf32, #tpu.memory_space<vmem>>)
      %dma_start3A_107 = arith.constant 0 : i32
      %dma_start3A_108 = tpu.memref_slice %arg7[%add3A_100, %dma_start3A_107] : memref<40x128xi32, #tpu.memory_space<vmem>> -> memref<1x128xi32, #tpu.memory_space<vmem>>
      %dma_start3A_109 = tpu.memref_squeeze %dma_start3A_108 : memref<1x128xi32, #tpu.memory_space<vmem>> -> memref<128xi32, #tpu.memory_space<vmem>>
      %dma_start3A_110 = arith.constant 0 : i32
      %dma_start3A_111 = arith.constant 0 : i32
      %dma_start3A_112 = tpu.memref_slice %arg12[%dma_start3A_110, %dma_start3A_111] : memref<10248x32xf32, #tpu.memory_space<vmem_shared>> -> memref<10248x32xf32, #tpu.memory_space<vmem_shared>>
      tpu.enqueue_indirect_dma source(%arg8 : memref<128x32xf32, #tpu.memory_space<vmem>>) target(%dma_start3A_112 : memref<10248x32xf32, #tpu.memory_space<vmem_shared>>) offsets(%dma_start3A_109 : memref<128xi32, #tpu.memory_space<vmem>>) semaphore(%arg18 : memref<!tpu.dma_semaphore, #tpu.memory_space<semaphore_mem>>) {add = true}
      %gt3A = arith.constant 0 : i32
      %gt3A_113 = arith.cmpi sgt, %scan3A_96, %gt3A : i32
      %convert_element_type3A = arith.extui %gt3A_113 : i1 to i32
      %cond3A = arith.constant 0 : i32
      %cond3A_114 = arith.cmpi ne, %convert_element_type3A, %cond3A : i32
      scf.if %cond3A_114 {
        %dma_wait3A_205 = arith.constant 0 : i32
        %dma_wait3A_206 = tpu.memref_slice %arg7[%add3A_100, %dma_wait3A_205] : memref<40x128xi32, #tpu.memory_space<vmem>> -> memref<1x128xi32, #tpu.memory_space<vmem>>
        %dma_wait3A_207 = tpu.memref_squeeze %dma_wait3A_206 : memref<1x128xi32, #tpu.memory_space<vmem>> -> memref<128xi32, #tpu.memory_space<vmem>>
        %dma_wait3A_208 = arith.constant 0 : i32
        %dma_wait3A_209 = arith.constant 0 : i32
        %dma_wait3A_210 = tpu.memref_slice %arg12[%dma_wait3A_208, %dma_wait3A_209] : memref<10248x32xf32, #tpu.memory_space<vmem_shared>> -> memref<10248x32xf32, #tpu.memory_space<vmem_shared>>
        tpu.wait_indirect_dma semaphore(%arg20 : memref<!tpu.dma_semaphore, #tpu.memory_space<semaphore_mem>>) src(%arg10 : memref<128x32xf32, #tpu.memory_space<vmem>>) dst(%dma_wait3A_210 : memref<10248x32xf32, #tpu.memory_space<vmem_shared>>)
      } else {
      }
      %add3A_115 = arith.constant 2 : i32
      %add3A_116 = arith.addi %add3A_100, %add3A_115 : i32
      %dma_start3A_117 = arith.constant 0 : i32
      %dma_start3A_118 = tpu.memref_slice %arg6[%add3A_116, %dma_start3A_117] : memref<40x128xi32, #tpu.memory_space<vmem>> -> memref<1x128xi32, #tpu.memory_space<vmem>>
      %dma_start3A_119 = tpu.memref_squeeze %dma_start3A_118 : memref<1x128xi32, #tpu.memory_space<vmem>> -> memref<128xi32, #tpu.memory_space<vmem>>
      %dma_start3A_120 = arith.constant 0 : i32
      %dma_start3A_121 = arith.constant 0 : i32
      %dma_start3A_122 = tpu.memref_slice %arg13[%dma_start3A_120, %dma_start3A_121] : memref<10248x32xf32, #tpu.memory_space<vmem_shared>> -> memref<10248x32xf32, #tpu.memory_space<vmem_shared>>
      tpu.enqueue_indirect_dma source(%dma_start3A_122 : memref<10248x32xf32, #tpu.memory_space<vmem_shared>>) target(%arg10 : memref<128x32xf32, #tpu.memory_space<vmem>>) offsets(%dma_start3A_119 : memref<128xi32, #tpu.memory_space<vmem>>) semaphore(%arg16 : memref<!tpu.dma_semaphore, #tpu.memory_space<semaphore_mem>>)
      %mul3A_123 = arith.constant 4 : i32
      %mul3A_124 = arith.muli %mul3A_123, %scan3A_96 : i32
      %add3A_125 = arith.constant 1 : i32
      %add3A_126 = arith.addi %mul3A_124, %add3A_125 : i32
      %dma_wait3A_127 = arith.constant 0 : i32
      %dma_wait3A_128 = tpu.memref_slice %arg6[%add3A_126, %dma_wait3A_127] : memref<40x128xi32, #tpu.memory_space<vmem>> -> memref<1x128xi32, #tpu.memory_space<vmem>>
      %dma_wait3A_129 = tpu.memref_squeeze %dma_wait3A_128 : memref<1x128xi32, #tpu.memory_space<vmem>> -> memref<128xi32, #tpu.memory_space<vmem>>
      %dma_wait3A_130 = arith.constant 0 : i32
      %dma_wait3A_131 = arith.constant 0 : i32
      %dma_wait3A_132 = tpu.memref_slice %arg13[%dma_wait3A_130, %dma_wait3A_131] : memref<10248x32xf32, #tpu.memory_space<vmem_shared>> -> memref<10248x32xf32, #tpu.memory_space<vmem_shared>>
      tpu.wait_indirect_dma semaphore(%arg15 : memref<!tpu.dma_semaphore, #tpu.memory_space<semaphore_mem>>) src(%dma_wait3A_132 : memref<10248x32xf32, #tpu.memory_space<vmem_shared>>) dst(%arg9 : memref<128x32xf32, #tpu.memory_space<vmem>>)
      %dma_start3A_133 = arith.constant 0 : i32
      %dma_start3A_134 = tpu.memref_slice %arg7[%add3A_126, %dma_start3A_133] : memref<40x128xi32, #tpu.memory_space<vmem>> -> memref<1x128xi32, #tpu.memory_space<vmem>>
      %dma_start3A_135 = tpu.memref_squeeze %dma_start3A_134 : memref<1x128xi32, #tpu.memory_space<vmem>> -> memref<128xi32, #tpu.memory_space<vmem>>
      %dma_start3A_136 = arith.constant 0 : i32
      %dma_start3A_137 = arith.constant 0 : i32
      %dma_start3A_138 = tpu.memref_slice %arg12[%dma_start3A_136, %dma_start3A_137] : memref<10248x32xf32, #tpu.memory_space<vmem_shared>> -> memref<10248x32xf32, #tpu.memory_space<vmem_shared>>
      tpu.enqueue_indirect_dma source(%arg9 : memref<128x32xf32, #tpu.memory_space<vmem>>) target(%dma_start3A_138 : memref<10248x32xf32, #tpu.memory_space<vmem_shared>>) offsets(%dma_start3A_135 : memref<128xi32, #tpu.memory_space<vmem>>) semaphore(%arg19 : memref<!tpu.dma_semaphore, #tpu.memory_space<semaphore_mem>>) {add = true}
      %gt3A_139 = arith.constant 0 : i32
      %gt3A_140 = arith.cmpi sgt, %scan3A_96, %gt3A_139 : i32
      %convert_element_type3A_141 = arith.extui %gt3A_140 : i1 to i32
      %cond3A_142 = arith.constant 0 : i32
      %cond3A_143 = arith.cmpi ne, %convert_element_type3A_141, %cond3A_142 : i32
      scf.if %cond3A_143 {
        %dma_wait3A_205 = arith.constant 0 : i32
        %dma_wait3A_206 = tpu.memref_slice %arg7[%add3A_126, %dma_wait3A_205] : memref<40x128xi32, #tpu.memory_space<vmem>> -> memref<1x128xi32, #tpu.memory_space<vmem>>
        %dma_wait3A_207 = tpu.memref_squeeze %dma_wait3A_206 : memref<1x128xi32, #tpu.memory_space<vmem>> -> memref<128xi32, #tpu.memory_space<vmem>>
        %dma_wait3A_208 = arith.constant 0 : i32
        %dma_wait3A_209 = arith.constant 0 : i32
        %dma_wait3A_210 = tpu.memref_slice %arg12[%dma_wait3A_208, %dma_wait3A_209] : memref<10248x32xf32, #tpu.memory_space<vmem_shared>> -> memref<10248x32xf32, #tpu.memory_space<vmem_shared>>
        tpu.wait_indirect_dma semaphore(%arg21 : memref<!tpu.dma_semaphore, #tpu.memory_space<semaphore_mem>>) src(%arg11 : memref<128x32xf32, #tpu.memory_space<vmem>>) dst(%dma_wait3A_210 : memref<10248x32xf32, #tpu.memory_space<vmem_shared>>)
      } else {
      }
      %add3A_144 = arith.constant 2 : i32
      %add3A_145 = arith.addi %add3A_126, %add3A_144 : i32
      %dma_start3A_146 = arith.constant 0 : i32
      %dma_start3A_147 = tpu.memref_slice %arg6[%add3A_145, %dma_start3A_146] : memref<40x128xi32, #tpu.memory_space<vmem>> -> memref<1x128xi32, #tpu.memory_space<vmem>>
      %dma_start3A_148 = tpu.memref_squeeze %dma_start3A_147 : memref<1x128xi32, #tpu.memory_space<vmem>> -> memref<128xi32, #tpu.memory_space<vmem>>
      %dma_start3A_149 = arith.constant 0 : i32
      %dma_start3A_150 = arith.constant 0 : i32
      %dma_start3A_151 = tpu.memref_slice %arg13[%dma_start3A_149, %dma_start3A_150] : memref<10248x32xf32, #tpu.memory_space<vmem_shared>> -> memref<10248x32xf32, #tpu.memory_space<vmem_shared>>
      tpu.enqueue_indirect_dma source(%dma_start3A_151 : memref<10248x32xf32, #tpu.memory_space<vmem_shared>>) target(%arg11 : memref<128x32xf32, #tpu.memory_space<vmem>>) offsets(%dma_start3A_148 : memref<128xi32, #tpu.memory_space<vmem>>) semaphore(%arg17 : memref<!tpu.dma_semaphore, #tpu.memory_space<semaphore_mem>>)
      %mul3A_152 = arith.constant 4 : i32
      %mul3A_153 = arith.muli %mul3A_152, %scan3A_96 : i32
      %add3A_154 = arith.constant 2 : i32
      %add3A_155 = arith.addi %mul3A_153, %add3A_154 : i32
      %dma_wait3A_156 = arith.constant 0 : i32
      %dma_wait3A_157 = tpu.memref_slice %arg6[%add3A_155, %dma_wait3A_156] : memref<40x128xi32, #tpu.memory_space<vmem>> -> memref<1x128xi32, #tpu.memory_space<vmem>>
      %dma_wait3A_158 = tpu.memref_squeeze %dma_wait3A_157 : memref<1x128xi32, #tpu.memory_space<vmem>> -> memref<128xi32, #tpu.memory_space<vmem>>
      %dma_wait3A_159 = arith.constant 0 : i32
      %dma_wait3A_160 = arith.constant 0 : i32
      %dma_wait3A_161 = tpu.memref_slice %arg13[%dma_wait3A_159, %dma_wait3A_160] : memref<10248x32xf32, #tpu.memory_space<vmem_shared>> -> memref<10248x32xf32, #tpu.memory_space<vmem_shared>>
      tpu.wait_indirect_dma semaphore(%arg16 : memref<!tpu.dma_semaphore, #tpu.memory_space<semaphore_mem>>) src(%dma_wait3A_161 : memref<10248x32xf32, #tpu.memory_space<vmem_shared>>) dst(%arg10 : memref<128x32xf32, #tpu.memory_space<vmem>>)
      %dma_start3A_162 = arith.constant 0 : i32
      %dma_start3A_163 = tpu.memref_slice %arg7[%add3A_155, %dma_start3A_162] : memref<40x128xi32, #tpu.memory_space<vmem>> -> memref<1x128xi32, #tpu.memory_space<vmem>>
      %dma_start3A_164 = tpu.memref_squeeze %dma_start3A_163 : memref<1x128xi32, #tpu.memory_space<vmem>> -> memref<128xi32, #tpu.memory_space<vmem>>
      %dma_start3A_165 = arith.constant 0 : i32
      %dma_start3A_166 = arith.constant 0 : i32
      %dma_start3A_167 = tpu.memref_slice %arg12[%dma_start3A_165, %dma_start3A_166] : memref<10248x32xf32, #tpu.memory_space<vmem_shared>> -> memref<10248x32xf32, #tpu.memory_space<vmem_shared>>
      tpu.enqueue_indirect_dma source(%arg10 : memref<128x32xf32, #tpu.memory_space<vmem>>) target(%dma_start3A_167 : memref<10248x32xf32, #tpu.memory_space<vmem_shared>>) offsets(%dma_start3A_164 : memref<128xi32, #tpu.memory_space<vmem>>) semaphore(%arg20 : memref<!tpu.dma_semaphore, #tpu.memory_space<semaphore_mem>>) {add = true}
      %dma_wait3A_168 = arith.constant 0 : i32
      %dma_wait3A_169 = tpu.memref_slice %arg7[%add3A_155, %dma_wait3A_168] : memref<40x128xi32, #tpu.memory_space<vmem>> -> memref<1x128xi32, #tpu.memory_space<vmem>>
      %dma_wait3A_170 = tpu.memref_squeeze %dma_wait3A_169 : memref<1x128xi32, #tpu.memory_space<vmem>> -> memref<128xi32, #tpu.memory_space<vmem>>
      %dma_wait3A_171 = arith.constant 0 : i32
      %dma_wait3A_172 = arith.constant 0 : i32
      %dma_wait3A_173 = tpu.memref_slice %arg12[%dma_wait3A_171, %dma_wait3A_172] : memref<10248x32xf32, #tpu.memory_space<vmem_shared>> -> memref<10248x32xf32, #tpu.memory_space<vmem_shared>>
      tpu.wait_indirect_dma semaphore(%arg18 : memref<!tpu.dma_semaphore, #tpu.memory_space<semaphore_mem>>) src(%arg8 : memref<128x32xf32, #tpu.memory_space<vmem>>) dst(%dma_wait3A_173 : memref<10248x32xf32, #tpu.memory_space<vmem_shared>>)
      %lt3A = arith.constant 9 : i32
      %lt3A_174 = arith.cmpi slt, %scan3A_96, %lt3A : i32
      %convert_element_type3A_175 = arith.extui %lt3A_174 : i1 to i32
      %cond3A_176 = arith.constant 0 : i32
      %cond3A_177 = arith.cmpi ne, %convert_element_type3A_175, %cond3A_176 : i32
      scf.if %cond3A_177 {
        %add3A_205 = arith.constant 2 : i32
        %add3A_206 = arith.addi %add3A_155, %add3A_205 : i32
        %dma_start3A_207 = arith.constant 0 : i32
        %dma_start3A_208 = tpu.memref_slice %arg6[%add3A_206, %dma_start3A_207] : memref<40x128xi32, #tpu.memory_space<vmem>> -> memref<1x128xi32, #tpu.memory_space<vmem>>
        %dma_start3A_209 = tpu.memref_squeeze %dma_start3A_208 : memref<1x128xi32, #tpu.memory_space<vmem>> -> memref<128xi32, #tpu.memory_space<vmem>>
        %dma_start3A_210 = arith.constant 0 : i32
        %dma_start3A_211 = arith.constant 0 : i32
        %dma_start3A_212 = tpu.memref_slice %arg13[%dma_start3A_210, %dma_start3A_211] : memref<10248x32xf32, #tpu.memory_space<vmem_shared>> -> memref<10248x32xf32, #tpu.memory_space<vmem_shared>>
        tpu.enqueue_indirect_dma source(%dma_start3A_212 : memref<10248x32xf32, #tpu.memory_space<vmem_shared>>) target(%arg8 : memref<128x32xf32, #tpu.memory_space<vmem>>) offsets(%dma_start3A_209 : memref<128xi32, #tpu.memory_space<vmem>>) semaphore(%arg14 : memref<!tpu.dma_semaphore, #tpu.memory_space<semaphore_mem>>)
      } else {
      }
      %mul3A_178 = arith.constant 4 : i32
      %mul3A_179 = arith.muli %mul3A_178, %scan3A_96 : i32
      %add3A_180 = arith.constant 3 : i32
      %add3A_181 = arith.addi %mul3A_179, %add3A_180 : i32
      %dma_wait3A_182 = arith.constant 0 : i32
      %dma_wait3A_183 = tpu.memref_slice %arg6[%add3A_181, %dma_wait3A_182] : memref<40x128xi32, #tpu.memory_space<vmem>> -> memref<1x128xi32, #tpu.memory_space<vmem>>
      %dma_wait3A_184 = tpu.memref_squeeze %dma_wait3A_183 : memref<1x128xi32, #tpu.memory_space<vmem>> -> memref<128xi32, #tpu.memory_space<vmem>>
      %dma_wait3A_185 = arith.constant 0 : i32
      %dma_wait3A_186 = arith.constant 0 : i32
      %dma_wait3A_187 = tpu.memref_slice %arg13[%dma_wait3A_185, %dma_wait3A_186] : memref<10248x32xf32, #tpu.memory_space<vmem_shared>> -> memref<10248x32xf32, #tpu.memory_space<vmem_shared>>
      tpu.wait_indirect_dma semaphore(%arg17 : memref<!tpu.dma_semaphore, #tpu.memory_space<semaphore_mem>>) src(%dma_wait3A_187 : memref<10248x32xf32, #tpu.memory_space<vmem_shared>>) dst(%arg11 : memref<128x32xf32, #tpu.memory_space<vmem>>)
      %dma_start3A_188 = arith.constant 0 : i32
      %dma_start3A_189 = tpu.memref_slice %arg7[%add3A_181, %dma_start3A_188] : memref<40x128xi32, #tpu.memory_space<vmem>> -> memref<1x128xi32, #tpu.memory_space<vmem>>
      %dma_start3A_190 = tpu.memref_squeeze %dma_start3A_189 : memref<1x128xi32, #tpu.memory_space<vmem>> -> memref<128xi32, #tpu.memory_space<vmem>>
      %dma_start3A_191 = arith.constant 0 : i32
      %dma_start3A_192 = arith.constant 0 : i32
      %dma_start3A_193 = tpu.memref_slice %arg12[%dma_start3A_191, %dma_start3A_192] : memref<10248x32xf32, #tpu.memory_space<vmem_shared>> -> memref<10248x32xf32, #tpu.memory_space<vmem_shared>>
      tpu.enqueue_indirect_dma source(%arg11 : memref<128x32xf32, #tpu.memory_space<vmem>>) target(%dma_start3A_193 : memref<10248x32xf32, #tpu.memory_space<vmem_shared>>) offsets(%dma_start3A_190 : memref<128xi32, #tpu.memory_space<vmem>>) semaphore(%arg21 : memref<!tpu.dma_semaphore, #tpu.memory_space<semaphore_mem>>) {add = true}
      %dma_wait3A_194 = arith.constant 0 : i32
      %dma_wait3A_195 = tpu.memref_slice %arg7[%add3A_181, %dma_wait3A_194] : memref<40x128xi32, #tpu.memory_space<vmem>> -> memref<1x128xi32, #tpu.memory_space<vmem>>
      %dma_wait3A_196 = tpu.memref_squeeze %dma_wait3A_195 : memref<1x128xi32, #tpu.memory_space<vmem>> -> memref<128xi32, #tpu.memory_space<vmem>>
      %dma_wait3A_197 = arith.constant 0 : i32
      %dma_wait3A_198 = arith.constant 0 : i32
      %dma_wait3A_199 = tpu.memref_slice %arg12[%dma_wait3A_197, %dma_wait3A_198] : memref<10248x32xf32, #tpu.memory_space<vmem_shared>> -> memref<10248x32xf32, #tpu.memory_space<vmem_shared>>
      tpu.wait_indirect_dma semaphore(%arg19 : memref<!tpu.dma_semaphore, #tpu.memory_space<semaphore_mem>>) src(%arg9 : memref<128x32xf32, #tpu.memory_space<vmem>>) dst(%dma_wait3A_199 : memref<10248x32xf32, #tpu.memory_space<vmem_shared>>)
      %lt3A_200 = arith.constant 9 : i32
      %lt3A_201 = arith.cmpi slt, %scan3A_96, %lt3A_200 : i32
      %convert_element_type3A_202 = arith.extui %lt3A_201 : i1 to i32
      %cond3A_203 = arith.constant 0 : i32
      %cond3A_204 = arith.cmpi ne, %convert_element_type3A_202, %cond3A_203 : i32
      scf.if %cond3A_204 {
        %add3A_205 = arith.constant 2 : i32
        %add3A_206 = arith.addi %add3A_181, %add3A_205 : i32
        %dma_start3A_207 = arith.constant 0 : i32
        %dma_start3A_208 = tpu.memref_slice %arg6[%add3A_206, %dma_start3A_207] : memref<40x128xi32, #tpu.memory_space<vmem>> -> memref<1x128xi32, #tpu.memory_space<vmem>>
        %dma_start3A_209 = tpu.memref_squeeze %dma_start3A_208 : memref<1x128xi32, #tpu.memory_space<vmem>> -> memref<128xi32, #tpu.memory_space<vmem>>
        %dma_start3A_210 = arith.constant 0 : i32
        %dma_start3A_211 = arith.constant 0 : i32
        %dma_start3A_212 = tpu.memref_slice %arg13[%dma_start3A_210, %dma_start3A_211] : memref<10248x32xf32, #tpu.memory_space<vmem_shared>> -> memref<10248x32xf32, #tpu.memory_space<vmem_shared>>
        tpu.enqueue_indirect_dma source(%dma_start3A_212 : memref<10248x32xf32, #tpu.memory_space<vmem_shared>>) target(%arg9 : memref<128x32xf32, #tpu.memory_space<vmem>>) offsets(%dma_start3A_209 : memref<128xi32, #tpu.memory_space<vmem>>) semaphore(%arg15 : memref<!tpu.dma_semaphore, #tpu.memory_space<semaphore_mem>>)
      } else {
      }
    }
    %scan3A_76 = arith.constant 10 : i32
    %dma_wait3A_77 = arith.constant 38 : i32
    %dma_wait3A_78 = arith.constant 0 : i32
    %dma_wait3A_79 = tpu.memref_slice %arg7[%dma_wait3A_77, %dma_wait3A_78] : memref<40x128xi32, #tpu.memory_space<vmem>> -> memref<1x128xi32, #tpu.memory_space<vmem>>
    %dma_wait3A_80 = tpu.memref_squeeze %dma_wait3A_79 : memref<1x128xi32, #tpu.memory_space<vmem>> -> memref<128xi32, #tpu.memory_space<vmem>>
    %dma_wait3A_81 = arith.constant 0 : i32
    %dma_wait3A_82 = arith.constant 0 : i32
    %dma_wait3A_83 = tpu.memref_slice %arg12[%dma_wait3A_81, %dma_wait3A_82] : memref<10248x32xf32, #tpu.memory_space<vmem_shared>> -> memref<10248x32xf32, #tpu.memory_space<vmem_shared>>
    tpu.wait_indirect_dma semaphore(%arg20 : memref<!tpu.dma_semaphore, #tpu.memory_space<semaphore_mem>>) src(%arg10 : memref<128x32xf32, #tpu.memory_space<vmem>>) dst(%dma_wait3A_83 : memref<10248x32xf32, #tpu.memory_space<vmem_shared>>)
    %dma_wait3A_84 = arith.constant 39 : i32
    %dma_wait3A_85 = arith.constant 0 : i32
    %dma_wait3A_86 = tpu.memref_slice %arg7[%dma_wait3A_84, %dma_wait3A_85] : memref<40x128xi32, #tpu.memory_space<vmem>> -> memref<1x128xi32, #tpu.memory_space<vmem>>
    %dma_wait3A_87 = tpu.memref_squeeze %dma_wait3A_86 : memref<1x128xi32, #tpu.memory_space<vmem>> -> memref<128xi32, #tpu.memory_space<vmem>>
    %dma_wait3A_88 = arith.constant 0 : i32
    %dma_wait3A_89 = arith.constant 0 : i32
    %dma_wait3A_90 = tpu.memref_slice %arg12[%dma_wait3A_88, %dma_wait3A_89] : memref<10248x32xf32, #tpu.memory_space<vmem_shared>> -> memref<10248x32xf32, #tpu.memory_space<vmem_shared>>
    tpu.wait_indirect_dma semaphore(%arg21 : memref<!tpu.dma_semaphore, #tpu.memory_space<semaphore_mem>>) src(%arg11 : memref<128x32xf32, #tpu.memory_space<vmem>>) dst(%dma_wait3A_90 : memref<10248x32xf32, #tpu.memory_space<vmem_shared>>)
    %barrier3A_91 = arith.constant 0 : index
    tpu.barrier barrier_id(%barrier3A_91)
    %mul3A_92 = arith.constant 640 : i32
    %mul3A_93 = arith.muli %arg1, %mul3A_92 : i32
    %mul3A_94 = arith.constant 640 : i32
    %mul3A_95 = arith.muli %arg1, %mul3A_94 : i32
    "tpu.region"() ({
      %run_scoped3A = tpu.sem_alloc : memref<!tpu.dma_semaphore, #tpu.memory_space<semaphore_mem>>
      %dma_start3A_96 = arith.constant 0 : i32
      %dma_start3A_97 = tpu.memref_slice %arg5[%arg0, %mul3A_95, %dma_start3A_96] : memref<2x10240x128xf32, #tpu.memory_space<hbm>> -> memref<1x640x32xf32, #tpu.memory_space<hbm>>
      %dma_start3A_98 = tpu.memref_squeeze %dma_start3A_97 : memref<1x640x32xf32, #tpu.memory_space<hbm>> -> memref<640x32xf32, #tpu.memory_space<hbm>>
      %dma_start3A_99 = arith.constant 0 : i32
      %dma_start3A_100 = tpu.memref_slice %arg12[%mul3A_93, %dma_start3A_99] : memref<10248x32xf32, #tpu.memory_space<vmem_shared>> -> memref<640x32xf32, #tpu.memory_space<vmem_shared>>
      tpu.enqueue_dma source(%dma_start3A_100 : memref<640x32xf32, #tpu.memory_space<vmem_shared>>) target(%dma_start3A_98 : memref<640x32xf32, #tpu.memory_space<hbm>>) target_semaphore(%run_scoped3A : memref<!tpu.dma_semaphore, #tpu.memory_space<semaphore_mem>>)
      %dma_wait3A_101 = arith.constant 0 : i32
      %dma_wait3A_102 = tpu.memref_slice %arg5[%arg0, %mul3A_95, %dma_wait3A_101] : memref<2x10240x128xf32, #tpu.memory_space<hbm>> -> memref<1x640x32xf32, #tpu.memory_space<hbm>>
      %dma_wait3A_103 = tpu.memref_squeeze %dma_wait3A_102 : memref<1x640x32xf32, #tpu.memory_space<hbm>> -> memref<640x32xf32, #tpu.memory_space<hbm>>
      %dma_wait3A_104 = arith.constant 0 : i32
      %dma_wait3A_105 = tpu.memref_slice %arg12[%mul3A_93, %dma_wait3A_104] : memref<10248x32xf32, #tpu.memory_space<vmem_shared>> -> memref<640x32xf32, #tpu.memory_space<vmem_shared>>
      tpu.wait_dma2 semaphore(%run_scoped3A : memref<!tpu.dma_semaphore, #tpu.memory_space<semaphore_mem>>) src(%dma_wait3A_105 : memref<640x32xf32, #tpu.memory_space<vmem_shared>>) dst(%dma_wait3A_103 : memref<640x32xf32, #tpu.memory_space<hbm>>)
      tpu.yield
    }) : () -> ()
    return
  }
}

#map = affine_map<(d0, d1) -> (0, 0)>
#map1 = affine_map<(d0, d1) -> (0, 0, 0, 0)>
#map2 = affine_map<(d0, d1) -> (0, 0, 0)>
module attributes {stable_mosaic.version = 14 : i64} {
  func.func @_seg_body(%arg0: i32, %arg1: i32, %arg2: memref<10240x128xf32, #tpu.memory_space<hbm>>, %arg3: memref<2x32x40x128xi32, #tpu.memory_space<hbm>>, %arg4: memref<10240x32xf32, #tpu.memory_space<hbm>>, %arg5: memref<2x10240x128xf32, #tpu.memory_space<hbm>>, %arg6: memref<40x128xi32, #tpu.memory_space<vmem>>, %arg7: memref<40x128xi32, #tpu.memory_space<vmem>>, %arg8: memref<128x32xf32, #tpu.memory_space<vmem>>, %arg9: memref<128x32xf32, #tpu.memory_space<vmem>>, %arg10: memref<128x32xf32, #tpu.memory_space<vmem>>, %arg11: memref<128x32xf32, #tpu.memory_space<vmem>>, %arg12: memref<10248x32xf32, #tpu.memory_space<vmem_shared>>, %arg13: memref<10248x32xf32, #tpu.memory_space<vmem_shared>>, %arg14: memref<!tpu.dma_semaphore, #tpu.memory_space<semaphore_mem>>, %arg15: memref<!tpu.dma_semaphore, #tpu.memory_space<semaphore_mem>>, %arg16: memref<!tpu.dma_semaphore, #tpu.memory_space<semaphore_mem>>, %arg17: memref<!tpu.dma_semaphore, #tpu.memory_space<semaphore_mem>>, %arg18: memref<!tpu.dma_semaphore, #tpu.memory_space<semaphore_mem>>, %arg19: memref<!tpu.dma_semaphore, #tpu.memory_space<semaphore_mem>>, %arg20: memref<!tpu.dma_semaphore, #tpu.memory_space<semaphore_mem>>, %arg21: memref<!tpu.dma_semaphore, #tpu.memory_space<semaphore_mem>>) attributes {dimension_semantics = [#tpu.dimension_semantics<core_parallel>, #tpu.dimension_semantics<subcore_parallel>], iteration_bounds = array<i64: 2, 16>, scalar_prefetch = 0 : i64, scratch_operands = 16 : i64, tpu.core_type = #tpu.core_type<sc_vector_subcore>, window_params = [{transform_indices = #map}, {transform_indices = #map1}, {transform_indices = #map}, {transform_indices = #map2}]} {
    %mul3A = arith.constant 16 : i32
    %mul3A_0 = arith.muli %arg0, %mul3A : i32
    %add3A = arith.addi %mul3A_0, %arg1 : i32
    %dma_start3A = arith.constant 0 : i32
    %dma_start3A_1 = arith.constant 0 : i32
    %dma_start3A_2 = arith.constant 0 : i32
    %dma_start3A_3 = tpu.memref_slice %arg3[%dma_start3A, %add3A, %dma_start3A_1, %dma_start3A_2] : memref<2x32x40x128xi32, #tpu.memory_space<hbm>> -> memref<1x1x40x128xi32, #tpu.memory_space<hbm>>
    %dma_start3A_4 = tpu.memref_squeeze %dma_start3A_3 : memref<1x1x40x128xi32, #tpu.memory_space<hbm>> -> memref<40x128xi32, #tpu.memory_space<hbm>>
    %dma_start3A_5 = arith.constant 0 : i32
    %dma_start3A_6 = arith.constant 0 : i32
    %dma_start3A_7 = tpu.memref_slice %arg3[%dma_start3A, %add3A, %dma_start3A_5, %dma_start3A_6] : memref<2x32x40x128xi32, #tpu.memory_space<hbm>> -> memref<1x1x40x128xi32, #tpu.memory_space<hbm>>
    %dma_start3A_8 = tpu.memref_squeeze %dma_start3A_7 : memref<1x1x40x128xi32, #tpu.memory_space<hbm>> -> memref<40x128xi32, #tpu.memory_space<hbm>>
    tpu.enqueue_dma source(%dma_start3A_8 : memref<40x128xi32, #tpu.memory_space<hbm>>) target(%arg6 : memref<40x128xi32, #tpu.memory_space<vmem>>) target_semaphore(%arg14 : memref<!tpu.dma_semaphore, #tpu.memory_space<semaphore_mem>>)
    %dma_start3A_9 = arith.constant 1 : i32
    %dma_start3A_10 = arith.constant 0 : i32
    %dma_start3A_11 = arith.constant 0 : i32
    %dma_start3A_12 = tpu.memref_slice %arg3[%dma_start3A_9, %add3A, %dma_start3A_10, %dma_start3A_11] : memref<2x32x40x128xi32, #tpu.memory_space<hbm>> -> memref<1x1x40x128xi32, #tpu.memory_space<hbm>>
    %dma_start3A_13 = tpu.memref_squeeze %dma_start3A_12 : memref<1x1x40x128xi32, #tpu.memory_space<hbm>> -> memref<40x128xi32, #tpu.memory_space<hbm>>
    %dma_start3A_14 = arith.constant 0 : i32
    %dma_start3A_15 = arith.constant 0 : i32
    %dma_start3A_16 = tpu.memref_slice %arg3[%dma_start3A_9, %add3A, %dma_start3A_14, %dma_start3A_15] : memref<2x32x40x128xi32, #tpu.memory_space<hbm>> -> memref<1x1x40x128xi32, #tpu.memory_space<hbm>>
    %dma_start3A_17 = tpu.memref_squeeze %dma_start3A_16 : memref<1x1x40x128xi32, #tpu.memory_space<hbm>> -> memref<40x128xi32, #tpu.memory_space<hbm>>
    tpu.enqueue_dma source(%dma_start3A_17 : memref<40x128xi32, #tpu.memory_space<hbm>>) target(%arg7 : memref<40x128xi32, #tpu.memory_space<vmem>>) target_semaphore(%arg15 : memref<!tpu.dma_semaphore, #tpu.memory_space<semaphore_mem>>)
    %mul3A_18 = arith.constant 640 : i32
    %mul3A_19 = arith.muli %arg1, %mul3A_18 : i32
    %mul3A_20 = arith.constant 640 : i32
    %mul3A_21 = arith.muli %arg1, %mul3A_20 : i32
    %dma_start3A_22 = arith.constant 0 : i32
    %dma_start3A_23 = tpu.memref_slice %arg12[%mul3A_21, %dma_start3A_22] : memref<10248x32xf32, #tpu.memory_space<vmem_shared>> -> memref<640x32xf32, #tpu.memory_space<vmem_shared>>
    %dma_start3A_24 = arith.constant 0 : i32
    %dma_start3A_25 = tpu.memref_slice %arg4[%mul3A_19, %dma_start3A_24] : memref<10240x32xf32, #tpu.memory_space<hbm>> -> memref<640x32xf32, #tpu.memory_space<hbm>>
    tpu.enqueue_dma source(%dma_start3A_25 : memref<640x32xf32, #tpu.memory_space<hbm>>) target(%dma_start3A_23 : memref<640x32xf32, #tpu.memory_space<vmem_shared>>) target_semaphore(%arg16 : memref<!tpu.dma_semaphore, #tpu.memory_space<semaphore_mem>>)
    %mul3A_26 = arith.constant 640 : i32
    %mul3A_27 = arith.muli %arg1, %mul3A_26 : i32
    %mul3A_28 = arith.constant 640 : i32
    %mul3A_29 = arith.muli %arg1, %mul3A_28 : i32
    %dma_start3A_30 = arith.constant 0 : i32
    %dma_start3A_31 = tpu.memref_slice %arg13[%mul3A_29, %dma_start3A_30] : memref<10248x32xf32, #tpu.memory_space<vmem_shared>> -> memref<640x32xf32, #tpu.memory_space<vmem_shared>>
    %dma_start3A_32 = arith.constant 0 : i32
    %dma_start3A_33 = tpu.memref_slice %arg2[%mul3A_27, %dma_start3A_32] : memref<10240x128xf32, #tpu.memory_space<hbm>> -> memref<640x32xf32, #tpu.memory_space<hbm>>
    tpu.enqueue_dma source(%dma_start3A_33 : memref<640x32xf32, #tpu.memory_space<hbm>>) target(%dma_start3A_31 : memref<640x32xf32, #tpu.memory_space<vmem_shared>>) target_semaphore(%arg17 : memref<!tpu.dma_semaphore, #tpu.memory_space<semaphore_mem>>)
    %dma_wait3A = arith.constant 0 : i32
    %dma_wait3A_34 = arith.constant 0 : i32
    %dma_wait3A_35 = arith.constant 0 : i32
    %dma_wait3A_36 = tpu.memref_slice %arg3[%dma_wait3A, %add3A, %dma_wait3A_34, %dma_wait3A_35] : memref<2x32x40x128xi32, #tpu.memory_space<hbm>> -> memref<1x1x40x128xi32, #tpu.memory_space<hbm>>
    %dma_wait3A_37 = tpu.memref_squeeze %dma_wait3A_36 : memref<1x1x40x128xi32, #tpu.memory_space<hbm>> -> memref<40x128xi32, #tpu.memory_space<hbm>>
    %dma_wait3A_38 = arith.constant 0 : i32
    %dma_wait3A_39 = arith.constant 0 : i32
    %dma_wait3A_40 = tpu.memref_slice %arg3[%dma_wait3A, %add3A, %dma_wait3A_38, %dma_wait3A_39] : memref<2x32x40x128xi32, #tpu.memory_space<hbm>> -> memref<1x1x40x128xi32, #tpu.memory_space<hbm>>
    %dma_wait3A_41 = tpu.memref_squeeze %dma_wait3A_40 : memref<1x1x40x128xi32, #tpu.memory_space<hbm>> -> memref<40x128xi32, #tpu.memory_space<hbm>>
    tpu.wait_dma2 semaphore(%arg14 : memref<!tpu.dma_semaphore, #tpu.memory_space<semaphore_mem>>) src(%dma_wait3A_41 : memref<40x128xi32, #tpu.memory_space<hbm>>) dst(%arg6 : memref<40x128xi32, #tpu.memory_space<vmem>>)
    %dma_wait3A_42 = arith.constant 1 : i32
    %dma_wait3A_43 = arith.constant 0 : i32
    %dma_wait3A_44 = arith.constant 0 : i32
    %dma_wait3A_45 = tpu.memref_slice %arg3[%dma_wait3A_42, %add3A, %dma_wait3A_43, %dma_wait3A_44] : memref<2x32x40x128xi32, #tpu.memory_space<hbm>> -> memref<1x1x40x128xi32, #tpu.memory_space<hbm>>
    %dma_wait3A_46 = tpu.memref_squeeze %dma_wait3A_45 : memref<1x1x40x128xi32, #tpu.memory_space<hbm>> -> memref<40x128xi32, #tpu.memory_space<hbm>>
    %dma_wait3A_47 = arith.constant 0 : i32
    %dma_wait3A_48 = arith.constant 0 : i32
    %dma_wait3A_49 = tpu.memref_slice %arg3[%dma_wait3A_42, %add3A, %dma_wait3A_47, %dma_wait3A_48] : memref<2x32x40x128xi32, #tpu.memory_space<hbm>> -> memref<1x1x40x128xi32, #tpu.memory_space<hbm>>
    %dma_wait3A_50 = tpu.memref_squeeze %dma_wait3A_49 : memref<1x1x40x128xi32, #tpu.memory_space<hbm>> -> memref<40x128xi32, #tpu.memory_space<hbm>>
    tpu.wait_dma2 semaphore(%arg15 : memref<!tpu.dma_semaphore, #tpu.memory_space<semaphore_mem>>) src(%dma_wait3A_50 : memref<40x128xi32, #tpu.memory_space<hbm>>) dst(%arg7 : memref<40x128xi32, #tpu.memory_space<vmem>>)
    %dma_wait3A_51 = arith.constant 0 : i32
    %dma_wait3A_52 = tpu.memref_slice %arg12[%mul3A_21, %dma_wait3A_51] : memref<10248x32xf32, #tpu.memory_space<vmem_shared>> -> memref<640x32xf32, #tpu.memory_space<vmem_shared>>
    %dma_wait3A_53 = arith.constant 0 : i32
    %dma_wait3A_54 = tpu.memref_slice %arg4[%mul3A_19, %dma_wait3A_53] : memref<10240x32xf32, #tpu.memory_space<hbm>> -> memref<640x32xf32, #tpu.memory_space<hbm>>
    tpu.wait_dma2 semaphore(%arg16 : memref<!tpu.dma_semaphore, #tpu.memory_space<semaphore_mem>>) src(%dma_wait3A_54 : memref<640x32xf32, #tpu.memory_space<hbm>>) dst(%dma_wait3A_52 : memref<640x32xf32, #tpu.memory_space<vmem_shared>>)
    %dma_wait3A_55 = arith.constant 0 : i32
    %dma_wait3A_56 = tpu.memref_slice %arg13[%mul3A_29, %dma_wait3A_55] : memref<10248x32xf32, #tpu.memory_space<vmem_shared>> -> memref<640x32xf32, #tpu.memory_space<vmem_shared>>
    %dma_wait3A_57 = arith.constant 0 : i32
    %dma_wait3A_58 = tpu.memref_slice %arg2[%mul3A_27, %dma_wait3A_57] : memref<10240x128xf32, #tpu.memory_space<hbm>> -> memref<640x32xf32, #tpu.memory_space<hbm>>
    tpu.wait_dma2 semaphore(%arg17 : memref<!tpu.dma_semaphore, #tpu.memory_space<semaphore_mem>>) src(%dma_wait3A_58 : memref<640x32xf32, #tpu.memory_space<hbm>>) dst(%dma_wait3A_56 : memref<640x32xf32, #tpu.memory_space<vmem_shared>>)
    %barrier3A = arith.constant 0 : index
    tpu.barrier barrier_id(%barrier3A)
    %dma_start3A_59 = arith.constant 0 : i32
    %dma_start3A_60 = arith.constant 0 : i32
    %dma_start3A_61 = tpu.memref_slice %arg6[%dma_start3A_59, %dma_start3A_60] : memref<40x128xi32, #tpu.memory_space<vmem>> -> memref<1x128xi32, #tpu.memory_space<vmem>>
    %dma_start3A_62 = tpu.memref_squeeze %dma_start3A_61 : memref<1x128xi32, #tpu.memory_space<vmem>> -> memref<128xi32, #tpu.memory_space<vmem>>
    %dma_start3A_63 = arith.constant 0 : i32
    %dma_start3A_64 = arith.constant 0 : i32
    %dma_start3A_65 = tpu.memref_slice %arg13[%dma_start3A_63, %dma_start3A_64] : memref<10248x32xf32, #tpu.memory_space<vmem_shared>> -> memref<10248x32xf32, #tpu.memory_space<vmem_shared>>
    tpu.enqueue_indirect_dma source(%dma_start3A_65 : memref<10248x32xf32, #tpu.memory_space<vmem_shared>>) target(%arg8 : memref<128x32xf32, #tpu.memory_space<vmem>>) offsets(%dma_start3A_62 : memref<128xi32, #tpu.memory_space<vmem>>) semaphore(%arg14 : memref<!tpu.dma_semaphore, #tpu.memory_space<semaphore_mem>>)
    %dma_start3A_66 = arith.constant 1 : i32
    %dma_start3A_67 = arith.constant 0 : i32
    %dma_start3A_68 = tpu.memref_slice %arg6[%dma_start3A_66, %dma_start3A_67] : memref<40x128xi32, #tpu.memory_space<vmem>> -> memref<1x128xi32, #tpu.memory_space<vmem>>
    %dma_start3A_69 = tpu.memref_squeeze %dma_start3A_68 : memref<1x128xi32, #tpu.memory_space<vmem>> -> memref<128xi32, #tpu.memory_space<vmem>>
    %dma_start3A_70 = arith.constant 0 : i32
    %dma_start3A_71 = arith.constant 0 : i32
    %dma_start3A_72 = tpu.memref_slice %arg13[%dma_start3A_70, %dma_start3A_71] : memref<10248x32xf32, #tpu.memory_space<vmem_shared>> -> memref<10248x32xf32, #tpu.memory_space<vmem_shared>>
    tpu.enqueue_indirect_dma source(%dma_start3A_72 : memref<10248x32xf32, #tpu.memory_space<vmem_shared>>) target(%arg9 : memref<128x32xf32, #tpu.memory_space<vmem>>) offsets(%dma_start3A_69 : memref<128xi32, #tpu.memory_space<vmem>>) semaphore(%arg15 : memref<!tpu.dma_semaphore, #tpu.memory_space<semaphore_mem>>)
    %scan3A = arith.constant 0 : i32
    %scan3A_73 = arith.constant 10 : i32
    %scan3A_74 = arith.addi %scan3A, %scan3A_73 : i32
    %scan3A_75 = arith.constant 1 : i32
    scf.for %scan3A_96 = %scan3A to %scan3A_74 step %scan3A_75  : i32 {
      %mul3A_97 = arith.constant 4 : i32
      %mul3A_98 = arith.muli %mul3A_97, %scan3A_96 : i32
      %add3A_99 = arith.constant 0 : i32
      %add3A_100 = arith.addi %mul3A_98, %add3A_99 : i32
      %dma_wait3A_101 = arith.constant 0 : i32
      %dma_wait3A_102 = tpu.memref_slice %arg6[%add3A_100, %dma_wait3A_101] : memref<40x128xi32, #tpu.memory_space<vmem>> -> memref<1x128xi32, #tpu.memory_space<vmem>>
      %dma_wait3A_103 = tpu.memref_squeeze %dma_wait3A_102 : memref<1x128xi32, #tpu.memory_space<vmem>> -> memref<128xi32, #tpu.memory_space<vmem>>
      %dma_wait3A_104 = arith.constant 0 : i32
      %dma_wait3A_105 = arith.constant 0 : i32
      %dma_wait3A_106 = tpu.memref_slice %arg13[%dma_wait3A_104, %dma_wait3A_105] : memref<10248x32xf32, #tpu.memory_space<vmem_shared>> -> memref<10248x32xf32, #tpu.memory_space<vmem_shared>>
      tpu.wait_indirect_dma semaphore(%arg14 : memref<!tpu.dma_semaphore, #tpu.memory_space<semaphore_mem>>) src(%dma_wait3A_106 : memref<10248x32xf32, #tpu.memory_space<vmem_shared>>) dst(%arg8 : memref<128x32xf32, #tpu.memory_space<vmem>>)
      %dma_start3A_107 = arith.constant 0 : i32
      %dma_start3A_108 = tpu.memref_slice %arg7[%add3A_100, %dma_start3A_107] : memref<40x128xi32, #tpu.memory_space<vmem>> -> memref<1x128xi32, #tpu.memory_space<vmem>>
      %dma_start3A_109 = tpu.memref_squeeze %dma_start3A_108 : memref<1x128xi32, #tpu.memory_space<vmem>> -> memref<128xi32, #tpu.memory_space<vmem>>
      %dma_start3A_110 = arith.constant 0 : i32
      %dma_start3A_111 = arith.constant 0 : i32
      %dma_start3A_112 = tpu.memref_slice %arg12[%dma_start3A_110, %dma_start3A_111] : memref<10248x32xf32, #tpu.memory_space<vmem_shared>> -> memref<10248x32xf32, #tpu.memory_space<vmem_shared>>
      tpu.enqueue_indirect_dma source(%arg8 : memref<128x32xf32, #tpu.memory_space<vmem>>) target(%dma_start3A_112 : memref<10248x32xf32, #tpu.memory_space<vmem_shared>>) offsets(%dma_start3A_109 : memref<128xi32, #tpu.memory_space<vmem>>) semaphore(%arg18 : memref<!tpu.dma_semaphore, #tpu.memory_space<semaphore_mem>>) {add = true}
      %gt3A = arith.constant 0 : i32
      %gt3A_113 = arith.cmpi sgt, %scan3A_96, %gt3A : i32
      %convert_element_type3A = arith.extui %gt3A_113 : i1 to i32
      %cond3A = arith.constant 0 : i32
      %cond3A_114 = arith.cmpi ne, %convert_element_type3A, %cond3A : i32
      scf.if %cond3A_114 {
        %dma_wait3A_205 = arith.constant 0 : i32
        %dma_wait3A_206 = tpu.memref_slice %arg7[%add3A_100, %dma_wait3A_205] : memref<40x128xi32, #tpu.memory_space<vmem>> -> memref<1x128xi32, #tpu.memory_space<vmem>>
        %dma_wait3A_207 = tpu.memref_squeeze %dma_wait3A_206 : memref<1x128xi32, #tpu.memory_space<vmem>> -> memref<128xi32, #tpu.memory_space<vmem>>
        %dma_wait3A_208 = arith.constant 0 : i32
        %dma_wait3A_209 = arith.constant 0 : i32
        %dma_wait3A_210 = tpu.memref_slice %arg12[%dma_wait3A_208, %dma_wait3A_209] : memref<10248x32xf32, #tpu.memory_space<vmem_shared>> -> memref<10248x32xf32, #tpu.memory_space<vmem_shared>>
        tpu.wait_indirect_dma semaphore(%arg20 : memref<!tpu.dma_semaphore, #tpu.memory_space<semaphore_mem>>) src(%arg10 : memref<128x32xf32, #tpu.memory_space<vmem>>) dst(%dma_wait3A_210 : memref<10248x32xf32, #tpu.memory_space<vmem_shared>>)
      } else {
      }
      %add3A_115 = arith.constant 2 : i32
      %add3A_116 = arith.addi %add3A_100, %add3A_115 : i32
      %dma_start3A_117 = arith.constant 0 : i32
      %dma_start3A_118 = tpu.memref_slice %arg6[%add3A_116, %dma_start3A_117] : memref<40x128xi32, #tpu.memory_space<vmem>> -> memref<1x128xi32, #tpu.memory_space<vmem>>
      %dma_start3A_119 = tpu.memref_squeeze %dma_start3A_118 : memref<1x128xi32, #tpu.memory_space<vmem>> -> memref<128xi32, #tpu.memory_space<vmem>>
      %dma_start3A_120 = arith.constant 0 : i32
      %dma_start3A_121 = arith.constant 0 : i32
      %dma_start3A_122 = tpu.memref_slice %arg13[%dma_start3A_120, %dma_start3A_121] : memref<10248x32xf32, #tpu.memory_space<vmem_shared>> -> memref<10248x32xf32, #tpu.memory_space<vmem_shared>>
      tpu.enqueue_indirect_dma source(%dma_start3A_122 : memref<10248x32xf32, #tpu.memory_space<vmem_shared>>) target(%arg10 : memref<128x32xf32, #tpu.memory_space<vmem>>) offsets(%dma_start3A_119 : memref<128xi32, #tpu.memory_space<vmem>>) semaphore(%arg16 : memref<!tpu.dma_semaphore, #tpu.memory_space<semaphore_mem>>)
      %mul3A_123 = arith.constant 4 : i32
      %mul3A_124 = arith.muli %mul3A_123, %scan3A_96 : i32
      %add3A_125 = arith.constant 1 : i32
      %add3A_126 = arith.addi %mul3A_124, %add3A_125 : i32
      %dma_wait3A_127 = arith.constant 0 : i32
      %dma_wait3A_128 = tpu.memref_slice %arg6[%add3A_126, %dma_wait3A_127] : memref<40x128xi32, #tpu.memory_space<vmem>> -> memref<1x128xi32, #tpu.memory_space<vmem>>
      %dma_wait3A_129 = tpu.memref_squeeze %dma_wait3A_128 : memref<1x128xi32, #tpu.memory_space<vmem>> -> memref<128xi32, #tpu.memory_space<vmem>>
      %dma_wait3A_130 = arith.constant 0 : i32
      %dma_wait3A_131 = arith.constant 0 : i32
      %dma_wait3A_132 = tpu.memref_slice %arg13[%dma_wait3A_130, %dma_wait3A_131] : memref<10248x32xf32, #tpu.memory_space<vmem_shared>> -> memref<10248x32xf32, #tpu.memory_space<vmem_shared>>
      tpu.wait_indirect_dma semaphore(%arg15 : memref<!tpu.dma_semaphore, #tpu.memory_space<semaphore_mem>>) src(%dma_wait3A_132 : memref<10248x32xf32, #tpu.memory_space<vmem_shared>>) dst(%arg9 : memref<128x32xf32, #tpu.memory_space<vmem>>)
      %dma_start3A_133 = arith.constant 0 : i32
      %dma_start3A_134 = tpu.memref_slice %arg7[%add3A_126, %dma_start3A_133] : memref<40x128xi32, #tpu.memory_space<vmem>> -> memref<1x128xi32, #tpu.memory_space<vmem>>
      %dma_start3A_135 = tpu.memref_squeeze %dma_start3A_134 : memref<1x128xi32, #tpu.memory_space<vmem>> -> memref<128xi32, #tpu.memory_space<vmem>>
      %dma_start3A_136 = arith.constant 0 : i32
      %dma_start3A_137 = arith.constant 0 : i32
      %dma_start3A_138 = tpu.memref_slice %arg12[%dma_start3A_136, %dma_start3A_137] : memref<10248x32xf32, #tpu.memory_space<vmem_shared>> -> memref<10248x32xf32, #tpu.memory_space<vmem_shared>>
      tpu.enqueue_indirect_dma source(%arg9 : memref<128x32xf32, #tpu.memory_space<vmem>>) target(%dma_start3A_138 : memref<10248x32xf32, #tpu.memory_space<vmem_shared>>) offsets(%dma_start3A_135 : memref<128xi32, #tpu.memory_space<vmem>>) semaphore(%arg19 : memref<!tpu.dma_semaphore, #tpu.memory_space<semaphore_mem>>) {add = true}
      %gt3A_139 = arith.constant 0 : i32
      %gt3A_140 = arith.cmpi sgt, %scan3A_96, %gt3A_139 : i32
      %convert_element_type3A_141 = arith.extui %gt3A_140 : i1 to i32
      %cond3A_142 = arith.constant 0 : i32
      %cond3A_143 = arith.cmpi ne, %convert_element_type3A_141, %cond3A_142 : i32
      scf.if %cond3A_143 {
        %dma_wait3A_205 = arith.constant 0 : i32
        %dma_wait3A_206 = tpu.memref_slice %arg7[%add3A_126, %dma_wait3A_205] : memref<40x128xi32, #tpu.memory_space<vmem>> -> memref<1x128xi32, #tpu.memory_space<vmem>>
        %dma_wait3A_207 = tpu.memref_squeeze %dma_wait3A_206 : memref<1x128xi32, #tpu.memory_space<vmem>> -> memref<128xi32, #tpu.memory_space<vmem>>
        %dma_wait3A_208 = arith.constant 0 : i32
        %dma_wait3A_209 = arith.constant 0 : i32
        %dma_wait3A_210 = tpu.memref_slice %arg12[%dma_wait3A_208, %dma_wait3A_209] : memref<10248x32xf32, #tpu.memory_space<vmem_shared>> -> memref<10248x32xf32, #tpu.memory_space<vmem_shared>>
        tpu.wait_indirect_dma semaphore(%arg21 : memref<!tpu.dma_semaphore, #tpu.memory_space<semaphore_mem>>) src(%arg11 : memref<128x32xf32, #tpu.memory_space<vmem>>) dst(%dma_wait3A_210 : memref<10248x32xf32, #tpu.memory_space<vmem_shared>>)
      } else {
      }
      %add3A_144 = arith.constant 2 : i32
      %add3A_145 = arith.addi %add3A_126, %add3A_144 : i32
      %dma_start3A_146 = arith.constant 0 : i32
      %dma_start3A_147 = tpu.memref_slice %arg6[%add3A_145, %dma_start3A_146] : memref<40x128xi32, #tpu.memory_space<vmem>> -> memref<1x128xi32, #tpu.memory_space<vmem>>
      %dma_start3A_148 = tpu.memref_squeeze %dma_start3A_147 : memref<1x128xi32, #tpu.memory_space<vmem>> -> memref<128xi32, #tpu.memory_space<vmem>>
      %dma_start3A_149 = arith.constant 0 : i32
      %dma_start3A_150 = arith.constant 0 : i32
      %dma_start3A_151 = tpu.memref_slice %arg13[%dma_start3A_149, %dma_start3A_150] : memref<10248x32xf32, #tpu.memory_space<vmem_shared>> -> memref<10248x32xf32, #tpu.memory_space<vmem_shared>>
      tpu.enqueue_indirect_dma source(%dma_start3A_151 : memref<10248x32xf32, #tpu.memory_space<vmem_shared>>) target(%arg11 : memref<128x32xf32, #tpu.memory_space<vmem>>) offsets(%dma_start3A_148 : memref<128xi32, #tpu.memory_space<vmem>>) semaphore(%arg17 : memref<!tpu.dma_semaphore, #tpu.memory_space<semaphore_mem>>)
      %mul3A_152 = arith.constant 4 : i32
      %mul3A_153 = arith.muli %mul3A_152, %scan3A_96 : i32
      %add3A_154 = arith.constant 2 : i32
      %add3A_155 = arith.addi %mul3A_153, %add3A_154 : i32
      %dma_wait3A_156 = arith.constant 0 : i32
      %dma_wait3A_157 = tpu.memref_slice %arg6[%add3A_155, %dma_wait3A_156] : memref<40x128xi32, #tpu.memory_space<vmem>> -> memref<1x128xi32, #tpu.memory_space<vmem>>
      %dma_wait3A_158 = tpu.memref_squeeze %dma_wait3A_157 : memref<1x128xi32, #tpu.memory_space<vmem>> -> memref<128xi32, #tpu.memory_space<vmem>>
      %dma_wait3A_159 = arith.constant 0 : i32
      %dma_wait3A_160 = arith.constant 0 : i32
      %dma_wait3A_161 = tpu.memref_slice %arg13[%dma_wait3A_159, %dma_wait3A_160] : memref<10248x32xf32, #tpu.memory_space<vmem_shared>> -> memref<10248x32xf32, #tpu.memory_space<vmem_shared>>
      tpu.wait_indirect_dma semaphore(%arg16 : memref<!tpu.dma_semaphore, #tpu.memory_space<semaphore_mem>>) src(%dma_wait3A_161 : memref<10248x32xf32, #tpu.memory_space<vmem_shared>>) dst(%arg10 : memref<128x32xf32, #tpu.memory_space<vmem>>)
      %dma_start3A_162 = arith.constant 0 : i32
      %dma_start3A_163 = tpu.memref_slice %arg7[%add3A_155, %dma_start3A_162] : memref<40x128xi32, #tpu.memory_space<vmem>> -> memref<1x128xi32, #tpu.memory_space<vmem>>
      %dma_start3A_164 = tpu.memref_squeeze %dma_start3A_163 : memref<1x128xi32, #tpu.memory_space<vmem>> -> memref<128xi32, #tpu.memory_space<vmem>>
      %dma_start3A_165 = arith.constant 0 : i32
      %dma_start3A_166 = arith.constant 0 : i32
      %dma_start3A_167 = tpu.memref_slice %arg12[%dma_start3A_165, %dma_start3A_166] : memref<10248x32xf32, #tpu.memory_space<vmem_shared>> -> memref<10248x32xf32, #tpu.memory_space<vmem_shared>>
      tpu.enqueue_indirect_dma source(%arg10 : memref<128x32xf32, #tpu.memory_space<vmem>>) target(%dma_start3A_167 : memref<10248x32xf32, #tpu.memory_space<vmem_shared>>) offsets(%dma_start3A_164 : memref<128xi32, #tpu.memory_space<vmem>>) semaphore(%arg20 : memref<!tpu.dma_semaphore, #tpu.memory_space<semaphore_mem>>) {add = true}
      %dma_wait3A_168 = arith.constant 0 : i32
      %dma_wait3A_169 = tpu.memref_slice %arg7[%add3A_155, %dma_wait3A_168] : memref<40x128xi32, #tpu.memory_space<vmem>> -> memref<1x128xi32, #tpu.memory_space<vmem>>
      %dma_wait3A_170 = tpu.memref_squeeze %dma_wait3A_169 : memref<1x128xi32, #tpu.memory_space<vmem>> -> memref<128xi32, #tpu.memory_space<vmem>>
      %dma_wait3A_171 = arith.constant 0 : i32
      %dma_wait3A_172 = arith.constant 0 : i32
      %dma_wait3A_173 = tpu.memref_slice %arg12[%dma_wait3A_171, %dma_wait3A_172] : memref<10248x32xf32, #tpu.memory_space<vmem_shared>> -> memref<10248x32xf32, #tpu.memory_space<vmem_shared>>
      tpu.wait_indirect_dma semaphore(%arg18 : memref<!tpu.dma_semaphore, #tpu.memory_space<semaphore_mem>>) src(%arg8 : memref<128x32xf32, #tpu.memory_space<vmem>>) dst(%dma_wait3A_173 : memref<10248x32xf32, #tpu.memory_space<vmem_shared>>)
      %lt3A = arith.constant 9 : i32
      %lt3A_174 = arith.cmpi slt, %scan3A_96, %lt3A : i32
      %convert_element_type3A_175 = arith.extui %lt3A_174 : i1 to i32
      %cond3A_176 = arith.constant 0 : i32
      %cond3A_177 = arith.cmpi ne, %convert_element_type3A_175, %cond3A_176 : i32
      scf.if %cond3A_177 {
        %add3A_205 = arith.constant 2 : i32
        %add3A_206 = arith.addi %add3A_155, %add3A_205 : i32
        %dma_start3A_207 = arith.constant 0 : i32
        %dma_start3A_208 = tpu.memref_slice %arg6[%add3A_206, %dma_start3A_207] : memref<40x128xi32, #tpu.memory_space<vmem>> -> memref<1x128xi32, #tpu.memory_space<vmem>>
        %dma_start3A_209 = tpu.memref_squeeze %dma_start3A_208 : memref<1x128xi32, #tpu.memory_space<vmem>> -> memref<128xi32, #tpu.memory_space<vmem>>
        %dma_start3A_210 = arith.constant 0 : i32
        %dma_start3A_211 = arith.constant 0 : i32
        %dma_start3A_212 = tpu.memref_slice %arg13[%dma_start3A_210, %dma_start3A_211] : memref<10248x32xf32, #tpu.memory_space<vmem_shared>> -> memref<10248x32xf32, #tpu.memory_space<vmem_shared>>
        tpu.enqueue_indirect_dma source(%dma_start3A_212 : memref<10248x32xf32, #tpu.memory_space<vmem_shared>>) target(%arg8 : memref<128x32xf32, #tpu.memory_space<vmem>>) offsets(%dma_start3A_209 : memref<128xi32, #tpu.memory_space<vmem>>) semaphore(%arg14 : memref<!tpu.dma_semaphore, #tpu.memory_space<semaphore_mem>>)
      } else {
      }
      %mul3A_178 = arith.constant 4 : i32
      %mul3A_179 = arith.muli %mul3A_178, %scan3A_96 : i32
      %add3A_180 = arith.constant 3 : i32
      %add3A_181 = arith.addi %mul3A_179, %add3A_180 : i32
      %dma_wait3A_182 = arith.constant 0 : i32
      %dma_wait3A_183 = tpu.memref_slice %arg6[%add3A_181, %dma_wait3A_182] : memref<40x128xi32, #tpu.memory_space<vmem>> -> memref<1x128xi32, #tpu.memory_space<vmem>>
      %dma_wait3A_184 = tpu.memref_squeeze %dma_wait3A_183 : memref<1x128xi32, #tpu.memory_space<vmem>> -> memref<128xi32, #tpu.memory_space<vmem>>
      %dma_wait3A_185 = arith.constant 0 : i32
      %dma_wait3A_186 = arith.constant 0 : i32
      %dma_wait3A_187 = tpu.memref_slice %arg13[%dma_wait3A_185, %dma_wait3A_186] : memref<10248x32xf32, #tpu.memory_space<vmem_shared>> -> memref<10248x32xf32, #tpu.memory_space<vmem_shared>>
      tpu.wait_indirect_dma semaphore(%arg17 : memref<!tpu.dma_semaphore, #tpu.memory_space<semaphore_mem>>) src(%dma_wait3A_187 : memref<10248x32xf32, #tpu.memory_space<vmem_shared>>) dst(%arg11 : memref<128x32xf32, #tpu.memory_space<vmem>>)
      %dma_start3A_188 = arith.constant 0 : i32
      %dma_start3A_189 = tpu.memref_slice %arg7[%add3A_181, %dma_start3A_188] : memref<40x128xi32, #tpu.memory_space<vmem>> -> memref<1x128xi32, #tpu.memory_space<vmem>>
      %dma_start3A_190 = tpu.memref_squeeze %dma_start3A_189 : memref<1x128xi32, #tpu.memory_space<vmem>> -> memref<128xi32, #tpu.memory_space<vmem>>
      %dma_start3A_191 = arith.constant 0 : i32
      %dma_start3A_192 = arith.constant 0 : i32
      %dma_start3A_193 = tpu.memref_slice %arg12[%dma_start3A_191, %dma_start3A_192] : memref<10248x32xf32, #tpu.memory_space<vmem_shared>> -> memref<10248x32xf32, #tpu.memory_space<vmem_shared>>
      tpu.enqueue_indirect_dma source(%arg11 : memref<128x32xf32, #tpu.memory_space<vmem>>) target(%dma_start3A_193 : memref<10248x32xf32, #tpu.memory_space<vmem_shared>>) offsets(%dma_start3A_190 : memref<128xi32, #tpu.memory_space<vmem>>) semaphore(%arg21 : memref<!tpu.dma_semaphore, #tpu.memory_space<semaphore_mem>>) {add = true}
      %dma_wait3A_194 = arith.constant 0 : i32
      %dma_wait3A_195 = tpu.memref_slice %arg7[%add3A_181, %dma_wait3A_194] : memref<40x128xi32, #tpu.memory_space<vmem>> -> memref<1x128xi32, #tpu.memory_space<vmem>>
      %dma_wait3A_196 = tpu.memref_squeeze %dma_wait3A_195 : memref<1x128xi32, #tpu.memory_space<vmem>> -> memref<128xi32, #tpu.memory_space<vmem>>
      %dma_wait3A_197 = arith.constant 0 : i32
      %dma_wait3A_198 = arith.constant 0 : i32
      %dma_wait3A_199 = tpu.memref_slice %arg12[%dma_wait3A_197, %dma_wait3A_198] : memref<10248x32xf32, #tpu.memory_space<vmem_shared>> -> memref<10248x32xf32, #tpu.memory_space<vmem_shared>>
      tpu.wait_indirect_dma semaphore(%arg19 : memref<!tpu.dma_semaphore, #tpu.memory_space<semaphore_mem>>) src(%arg9 : memref<128x32xf32, #tpu.memory_space<vmem>>) dst(%dma_wait3A_199 : memref<10248x32xf32, #tpu.memory_space<vmem_shared>>)
      %lt3A_200 = arith.constant 9 : i32
      %lt3A_201 = arith.cmpi slt, %scan3A_96, %lt3A_200 : i32
      %convert_element_type3A_202 = arith.extui %lt3A_201 : i1 to i32
      %cond3A_203 = arith.constant 0 : i32
      %cond3A_204 = arith.cmpi ne, %convert_element_type3A_202, %cond3A_203 : i32
      scf.if %cond3A_204 {
        %add3A_205 = arith.constant 2 : i32
        %add3A_206 = arith.addi %add3A_181, %add3A_205 : i32
        %dma_start3A_207 = arith.constant 0 : i32
        %dma_start3A_208 = tpu.memref_slice %arg6[%add3A_206, %dma_start3A_207] : memref<40x128xi32, #tpu.memory_space<vmem>> -> memref<1x128xi32, #tpu.memory_space<vmem>>
        %dma_start3A_209 = tpu.memref_squeeze %dma_start3A_208 : memref<1x128xi32, #tpu.memory_space<vmem>> -> memref<128xi32, #tpu.memory_space<vmem>>
        %dma_start3A_210 = arith.constant 0 : i32
        %dma_start3A_211 = arith.constant 0 : i32
        %dma_start3A_212 = tpu.memref_slice %arg13[%dma_start3A_210, %dma_start3A_211] : memref<10248x32xf32, #tpu.memory_space<vmem_shared>> -> memref<10248x32xf32, #tpu.memory_space<vmem_shared>>
        tpu.enqueue_indirect_dma source(%dma_start3A_212 : memref<10248x32xf32, #tpu.memory_space<vmem_shared>>) target(%arg9 : memref<128x32xf32, #tpu.memory_space<vmem>>) offsets(%dma_start3A_209 : memref<128xi32, #tpu.memory_space<vmem>>) semaphore(%arg15 : memref<!tpu.dma_semaphore, #tpu.memory_space<semaphore_mem>>)
      } else {
      }
    }
    %scan3A_76 = arith.constant 10 : i32
    %dma_wait3A_77 = arith.constant 38 : i32
    %dma_wait3A_78 = arith.constant 0 : i32
    %dma_wait3A_79 = tpu.memref_slice %arg7[%dma_wait3A_77, %dma_wait3A_78] : memref<40x128xi32, #tpu.memory_space<vmem>> -> memref<1x128xi32, #tpu.memory_space<vmem>>
    %dma_wait3A_80 = tpu.memref_squeeze %dma_wait3A_79 : memref<1x128xi32, #tpu.memory_space<vmem>> -> memref<128xi32, #tpu.memory_space<vmem>>
    %dma_wait3A_81 = arith.constant 0 : i32
    %dma_wait3A_82 = arith.constant 0 : i32
    %dma_wait3A_83 = tpu.memref_slice %arg12[%dma_wait3A_81, %dma_wait3A_82] : memref<10248x32xf32, #tpu.memory_space<vmem_shared>> -> memref<10248x32xf32, #tpu.memory_space<vmem_shared>>
    tpu.wait_indirect_dma semaphore(%arg20 : memref<!tpu.dma_semaphore, #tpu.memory_space<semaphore_mem>>) src(%arg10 : memref<128x32xf32, #tpu.memory_space<vmem>>) dst(%dma_wait3A_83 : memref<10248x32xf32, #tpu.memory_space<vmem_shared>>)
    %dma_wait3A_84 = arith.constant 39 : i32
    %dma_wait3A_85 = arith.constant 0 : i32
    %dma_wait3A_86 = tpu.memref_slice %arg7[%dma_wait3A_84, %dma_wait3A_85] : memref<40x128xi32, #tpu.memory_space<vmem>> -> memref<1x128xi32, #tpu.memory_space<vmem>>
    %dma_wait3A_87 = tpu.memref_squeeze %dma_wait3A_86 : memref<1x128xi32, #tpu.memory_space<vmem>> -> memref<128xi32, #tpu.memory_space<vmem>>
    %dma_wait3A_88 = arith.constant 0 : i32
    %dma_wait3A_89 = arith.constant 0 : i32
    %dma_wait3A_90 = tpu.memref_slice %arg12[%dma_wait3A_88, %dma_wait3A_89] : memref<10248x32xf32, #tpu.memory_space<vmem_shared>> -> memref<10248x32xf32, #tpu.memory_space<vmem_shared>>
    tpu.wait_indirect_dma semaphore(%arg21 : memref<!tpu.dma_semaphore, #tpu.memory_space<semaphore_mem>>) src(%arg11 : memref<128x32xf32, #tpu.memory_space<vmem>>) dst(%dma_wait3A_90 : memref<10248x32xf32, #tpu.memory_space<vmem_shared>>)
    %barrier3A_91 = arith.constant 0 : index
    tpu.barrier barrier_id(%barrier3A_91)
    %mul3A_92 = arith.constant 640 : i32
    %mul3A_93 = arith.muli %arg1, %mul3A_92 : i32
    %mul3A_94 = arith.constant 640 : i32
    %mul3A_95 = arith.muli %arg1, %mul3A_94 : i32
    "tpu.region"() ({
      %run_scoped3A = tpu.sem_alloc : memref<!tpu.dma_semaphore, #tpu.memory_space<semaphore_mem>>
      %dma_start3A_96 = arith.constant 0 : i32
      %dma_start3A_97 = tpu.memref_slice %arg5[%arg0, %mul3A_95, %dma_start3A_96] : memref<2x10240x128xf32, #tpu.memory_space<hbm>> -> memref<1x640x32xf32, #tpu.memory_space<hbm>>
      %dma_start3A_98 = tpu.memref_squeeze %dma_start3A_97 : memref<1x640x32xf32, #tpu.memory_space<hbm>> -> memref<640x32xf32, #tpu.memory_space<hbm>>
      %dma_start3A_99 = arith.constant 0 : i32
      %dma_start3A_100 = tpu.memref_slice %arg12[%mul3A_93, %dma_start3A_99] : memref<10248x32xf32, #tpu.memory_space<vmem_shared>> -> memref<640x32xf32, #tpu.memory_space<vmem_shared>>
      tpu.enqueue_dma source(%dma_start3A_100 : memref<640x32xf32, #tpu.memory_space<vmem_shared>>) target(%dma_start3A_98 : memref<640x32xf32, #tpu.memory_space<hbm>>) target_semaphore(%run_scoped3A : memref<!tpu.dma_semaphore, #tpu.memory_space<semaphore_mem>>)
      %dma_wait3A_101 = arith.constant 0 : i32
      %dma_wait3A_102 = tpu.memref_slice %arg5[%arg0, %mul3A_95, %dma_wait3A_101] : memref<2x10240x128xf32, #tpu.memory_space<hbm>> -> memref<1x640x32xf32, #tpu.memory_space<hbm>>
      %dma_wait3A_103 = tpu.memref_squeeze %dma_wait3A_102 : memref<1x640x32xf32, #tpu.memory_space<hbm>> -> memref<640x32xf32, #tpu.memory_space<hbm>>
      %dma_wait3A_104 = arith.constant 0 : i32
      %dma_wait3A_105 = tpu.memref_slice %arg12[%mul3A_93, %dma_wait3A_104] : memref<10248x32xf32, #tpu.memory_space<vmem_shared>> -> memref<640x32xf32, #tpu.memory_space<vmem_shared>>
      tpu.wait_dma2 semaphore(%run_scoped3A : memref<!tpu.dma_semaphore, #tpu.memory_space<semaphore_mem>>) src(%dma_wait3A_105 : memref<640x32xf32, #tpu.memory_space<vmem_shared>>) dst(%dma_wait3A_103 : memref<640x32xf32, #tpu.memory_space<hbm>>)
      tpu.yield
    }) : () -> ()
    return
  }
}

module attributes {stable_mosaic.version = 14 : i64} {
  func.func @_tc1_body(%arg0: memref<10000x256xf32, #tpu.memory_space<vmem>>, %arg1: memref<256x128xf32, #tpu.memory_space<vmem>>, %arg2: memref<2x10240xf32, #tpu.memory_space<vmem>>, %arg3: memref<10240x128xf32, #tpu.memory_space<vmem>>, %arg4: memref<10240x32xf32, #tpu.memory_space<vmem>>) attributes {dimension_semantics = [], scalar_prefetch = 0 : i64, scratch_operands = 0 : i64, tpu.core_type = #tpu.core_type<tc>} {
    %get3A = arith.constant 0 : index
    %get3A_0 = arith.constant 0 : index
    %get3A_1 = vector.load %arg2[%get3A, %get3A_0] : memref<2x10240xf32, #tpu.memory_space<vmem>>, vector<1x10240xf32>
    %get3A_2 = arith.constant 1 : index
    %get3A_3 = arith.constant 0 : index
    %get3A_4 = vector.load %arg2[%get3A_2, %get3A_3] : memref<2x10240xf32, #tpu.memory_space<vmem>>, vector<1x10240xf32>
    %add3A = arith.addf %get3A_1, %get3A_4 : vector<1x10240xf32>
    %add3A_5 = arith.constant 1.000000e+00 : f32
    %add3A_6 = vector.broadcast %add3A_5 : f32 to vector<1x10240xf32>
    %add3A_7 = arith.addf %add3A, %add3A_6 : vector<1x10240xf32>
    %rsqrt3A = math.rsqrt %add3A_7 : vector<1x10240xf32>
    %transpose3A = tpu.transpose %rsqrt3A, [1, 0] : vector<1x10240xf32> -> vector<10240x1xf32>
    %broadcast_in_dim3A = vector.shape_cast %transpose3A : vector<10240x1xf32> to vector<10240x1xf32>
    %broadcast_in_dim3A_8 = vector.broadcast %broadcast_in_dim3A : vector<10240x1xf32> to vector<10240x32xf32>
    %swap3A = arith.constant 0 : index
    %swap3A_9 = arith.constant 0 : index
    %swap3A_10 = vector.load %arg4[%swap3A, %swap3A_9] : memref<10240x32xf32, #tpu.memory_space<vmem>>, vector<10240x32xf32>
    tpu.vector_store %arg4[%swap3A, %swap3A_9], %broadcast_in_dim3A_8 {strides = array<i32>} : memref<10240x32xf32, #tpu.memory_space<vmem>>, vector<10240x32xf32>,
    %slice3A = vector.extract_strided_slice %transpose3A {offsets = [0, 0], sizes = [10000, 1], strides = [1, 1]} : vector<10240x1xf32> to vector<10000x1xf32>
    %broadcast_in_dim3A_11 = vector.shape_cast %slice3A : vector<10000x1xf32> to vector<10000x1xf32>
    %broadcast_in_dim3A_12 = vector.broadcast %broadcast_in_dim3A_11 : vector<10000x1xf32> to vector<10000x128xf32>
    %get3A_13 = arith.constant 0 : index
    %get3A_14 = arith.constant 0 : index
    %get3A_15 = vector.load %arg0[%get3A_13, %get3A_14] : memref<10000x256xf32, #tpu.memory_space<vmem>>, vector<10000x256xf32>
    %get3A_16 = arith.constant 0 : index
    %get3A_17 = arith.constant 0 : index
    %get3A_18 = vector.load %arg1[%get3A_16, %get3A_17] : memref<256x128xf32, #tpu.memory_space<vmem>>, vector<256x128xf32>
    %dot_general3A = arith.constant dense<0.000000e+00> : vector<10000x128xf32>
    %dot_general3A_19 = tpu.matmul %get3A_15, %get3A_18, %dot_general3A {dimension_numbers = #tpu.dot_dimension_numbers<[1], [0], [0], [1], [0, 0, 1, 1], [], []>, transpose_lhs_hint = false} : vector<10000x256xf32>, vector<256x128xf32>, vector<10000x128xf32> -> vector<10000x128xf32>
    %mul3A = arith.mulf %dot_general3A_19, %broadcast_in_dim3A_12 : vector<10000x128xf32>
    %swap3A_20 = arith.constant 0 : index
    %swap3A_21 = arith.constant 0 : index
    %swap3A_22 = vector.load %arg3[%swap3A_20, %swap3A_21] : memref<10240x128xf32, #tpu.memory_space<vmem>>, vector<10000x128xf32>
    tpu.vector_store %arg3[%swap3A_20, %swap3A_21], %mul3A {strides = array<i32>} : memref<10240x128xf32, #tpu.memory_space<vmem>>, vector<10000x128xf32>,
    %broadcast_in_dim3A_23 = arith.constant 0.000000e+00 : f32
    %broadcast_in_dim3A_24 = vector.broadcast %broadcast_in_dim3A_23 : f32 to vector<240x128xf32>
    %swap3A_25 = arith.constant 10000 : index
    %swap3A_26 = arith.constant 0 : index
    %swap3A_27 = vector.load %arg3[%swap3A_25, %swap3A_26] : memref<10240x128xf32, #tpu.memory_space<vmem>>, vector<240x128xf32>
    tpu.vector_store %arg3[%swap3A_25, %swap3A_26], %broadcast_in_dim3A_24 {strides = array<i32>} : memref<10240x128xf32, #tpu.memory_space<vmem>>, vector<240x128xf32>,
    return
  }
}

module attributes {stable_mosaic.version = 14 : i64} {
  func.func @_tc2_body(%arg0: memref<2x10240x128xf32, #tpu.memory_space<vmem>>, %arg1: memref<10240x128xf32, #tpu.memory_space<vmem>>, %arg2: memref<10240x32xf32, #tpu.memory_space<vmem>>, %arg3: memref<1x128xf32, #tpu.memory_space<vmem>>, %arg4: memref<128x128xf32, #tpu.memory_space<vmem>>, %arg5: memref<10240x128xf32, #tpu.memory_space<vmem>>) attributes {dimension_semantics = [], scalar_prefetch = 0 : i64, scratch_operands = 0 : i64, tpu.core_type = #tpu.core_type<tc>} {
    %get3A = arith.constant 0 : index
    %get3A_0 = arith.constant 0 : index
    %get3A_1 = vector.load %arg2[%get3A, %get3A_0] : memref<10240x32xf32, #tpu.memory_space<vmem>>, vector<10000x1xf32>
    %broadcast_in_dim3A = vector.shape_cast %get3A_1 : vector<10000x1xf32> to vector<10000x1xf32>
    %broadcast_in_dim3A_2 = vector.broadcast %broadcast_in_dim3A : vector<10000x1xf32> to vector<10000x128xf32>
    %get3A_3 = arith.constant 0 : index
    %get3A_4 = arith.constant 0 : index
    %get3A_5 = arith.constant 0 : index
    %get3A_6 = vector.load %arg0[%get3A_3, %get3A_4, %get3A_5] : memref<2x10240x128xf32, #tpu.memory_space<vmem>>, vector<1x10000x128xf32>
    %get3A_7 = vector.shape_cast %get3A_6 : vector<1x10000x128xf32> to vector<10000x128xf32>
    %get3A_8 = arith.constant 1 : index
    %get3A_9 = arith.constant 0 : index
    %get3A_10 = arith.constant 0 : index
    %get3A_11 = vector.load %arg0[%get3A_8, %get3A_9, %get3A_10] : memref<2x10240x128xf32, #tpu.memory_space<vmem>>, vector<1x10000x128xf32>
    %get3A_12 = vector.shape_cast %get3A_11 : vector<1x10000x128xf32> to vector<10000x128xf32>
    %add3A = arith.addf %get3A_7, %get3A_12 : vector<10000x128xf32>
    %iota3A = tpu.iota {dimensions = array<i32: 1>} : vector<10000x128xi32>
    %lt3A = arith.constant 32 : i32
    %lt3A_13 = vector.broadcast %lt3A : i32 to vector<10000x128xi32>
    %lt3A_14 = arith.cmpi slt, %iota3A, %lt3A_13 : vector<10000x128xi32>
    %jit3A = arith.constant 0.000000e+00 : f32
    %broadcast_in_dim3A_15 = vector.broadcast %jit3A : f32 to vector<10000x128xf32>
    %select_n3A = arith.select %lt3A_14, %add3A, %broadcast_in_dim3A_15 : vector<10000x128xi1>, vector<10000x128xf32>
    %get3A_16 = arith.constant 0 : index
    %get3A_17 = arith.constant 0 : index
    %get3A_18 = vector.load %arg1[%get3A_16, %get3A_17] : memref<10240x128xf32, #tpu.memory_space<vmem>>, vector<10000x128xf32>
    %add3A_19 = arith.addf %select_n3A, %get3A_18 : vector<10000x128xf32>
    %mul3A = arith.mulf %broadcast_in_dim3A_2, %add3A_19 : vector<10000x128xf32>
    %get3A_20 = arith.constant 0 : index
    %get3A_21 = arith.constant 0 : index
    %get3A_22 = vector.load %arg3[%get3A_20, %get3A_21] : memref<1x128xf32, #tpu.memory_space<vmem>>, vector<1x128xf32>
    %add3A_23 = vector.broadcast %get3A_22 : vector<1x128xf32> to vector<10000x128xf32>
    %add3A_24 = arith.addf %mul3A, %add3A_23 : vector<10000x128xf32>
    %max3A = arith.constant 0.000000e+00 : f32
    %max3A_25 = vector.broadcast %max3A : f32 to vector<10000x128xf32>
    %max3A_26 = arith.maximumf %add3A_24, %max3A_25 : vector<10000x128xf32>
    %get3A_27 = arith.constant 0 : index
    %get3A_28 = arith.constant 0 : index
    %get3A_29 = vector.load %arg4[%get3A_27, %get3A_28] : memref<128x128xf32, #tpu.memory_space<vmem>>, vector<128x128xf32>
    %dot_general3A = arith.constant dense<0.000000e+00> : vector<10000x128xf32>
    %dot_general3A_30 = tpu.matmul %max3A_26, %get3A_29, %dot_general3A {dimension_numbers = #tpu.dot_dimension_numbers<[1], [0], [0], [1], [0, 0, 1, 1], [], []>, transpose_lhs_hint = false} : vector<10000x128xf32>, vector<128x128xf32>, vector<10000x128xf32> -> vector<10000x128xf32>
    %mul3A_31 = arith.mulf %dot_general3A_30, %broadcast_in_dim3A_2 : vector<10000x128xf32>
    %swap3A = arith.constant 0 : index
    %swap3A_32 = arith.constant 0 : index
    %swap3A_33 = vector.load %arg5[%swap3A, %swap3A_32] : memref<10240x128xf32, #tpu.memory_space<vmem>>, vector<10000x128xf32>
    tpu.vector_store %arg5[%swap3A, %swap3A_32], %mul3A_31 {strides = array<i32>} : memref<10240x128xf32, #tpu.memory_space<vmem>>, vector<10000x128xf32>,
    %broadcast_in_dim3A_34 = arith.constant 0.000000e+00 : f32
    %broadcast_in_dim3A_35 = vector.broadcast %broadcast_in_dim3A_34 : f32 to vector<240x128xf32>
    %swap3A_36 = arith.constant 10000 : index
    %swap3A_37 = arith.constant 0 : index
    %swap3A_38 = vector.load %arg5[%swap3A_36, %swap3A_37] : memref<10240x128xf32, #tpu.memory_space<vmem>>, vector<240x128xf32>
    tpu.vector_store %arg5[%swap3A_36, %swap3A_37], %broadcast_in_dim3A_35 {strides = array<i32>} : memref<10240x128xf32, #tpu.memory_space<vmem>>, vector<240x128xf32>,
    return
  }
}

module attributes {stable_mosaic.version = 14 : i64} {
  func.func @_tc3_body(%arg0: memref<2x10240x128xf32, #tpu.memory_space<vmem>>, %arg1: memref<10240x128xf32, #tpu.memory_space<vmem>>, %arg2: memref<10240x32xf32, #tpu.memory_space<vmem>>, %arg3: memref<1x128xf32, #tpu.memory_space<vmem>>, %arg4: memref<128x128xf32, #tpu.memory_space<vmem>>, %arg5: memref<1x128xf32, #tpu.memory_space<vmem>>, %arg6: memref<128x128xf32, #tpu.memory_space<vmem>>, %arg7: memref<1x128xf32, #tpu.memory_space<vmem>>, %arg8: memref<128x1xf32, #tpu.memory_space<vmem>>, %arg9: memref<1x1xf32, #tpu.memory_space<vmem>>, %arg10: memref<1x1xf32, #tpu.memory_space<vmem>>) attributes {dimension_semantics = [], scalar_prefetch = 0 : i64, scratch_operands = 0 : i64, tpu.core_type = #tpu.core_type<tc>} {
    %get3A = arith.constant 0 : index
    %get3A_0 = arith.constant 0 : index
    %get3A_1 = vector.load %arg2[%get3A, %get3A_0] : memref<10240x32xf32, #tpu.memory_space<vmem>>, vector<10000x1xf32>
    %broadcast_in_dim3A = vector.shape_cast %get3A_1 : vector<10000x1xf32> to vector<10000x1xf32>
    %broadcast_in_dim3A_2 = vector.broadcast %broadcast_in_dim3A : vector<10000x1xf32> to vector<10000x128xf32>
    %get3A_3 = arith.constant 0 : index
    %get3A_4 = arith.constant 0 : index
    %get3A_5 = arith.constant 0 : index
    %get3A_6 = vector.load %arg0[%get3A_3, %get3A_4, %get3A_5] : memref<2x10240x128xf32, #tpu.memory_space<vmem>>, vector<1x10000x128xf32>
    %get3A_7 = vector.shape_cast %get3A_6 : vector<1x10000x128xf32> to vector<10000x128xf32>
    %get3A_8 = arith.constant 1 : index
    %get3A_9 = arith.constant 0 : index
    %get3A_10 = arith.constant 0 : index
    %get3A_11 = vector.load %arg0[%get3A_8, %get3A_9, %get3A_10] : memref<2x10240x128xf32, #tpu.memory_space<vmem>>, vector<1x10000x128xf32>
    %get3A_12 = vector.shape_cast %get3A_11 : vector<1x10000x128xf32> to vector<10000x128xf32>
    %add3A = arith.addf %get3A_7, %get3A_12 : vector<10000x128xf32>
    %iota3A = tpu.iota {dimensions = array<i32: 1>} : vector<10000x128xi32>
    %lt3A = arith.constant 32 : i32
    %lt3A_13 = vector.broadcast %lt3A : i32 to vector<10000x128xi32>
    %lt3A_14 = arith.cmpi slt, %iota3A, %lt3A_13 : vector<10000x128xi32>
    %jit3A = arith.constant 0.000000e+00 : f32
    %broadcast_in_dim3A_15 = vector.broadcast %jit3A : f32 to vector<10000x128xf32>
    %select_n3A = arith.select %lt3A_14, %add3A, %broadcast_in_dim3A_15 : vector<10000x128xi1>, vector<10000x128xf32>
    %get3A_16 = arith.constant 0 : index
    %get3A_17 = arith.constant 0 : index
    %get3A_18 = vector.load %arg1[%get3A_16, %get3A_17] : memref<10240x128xf32, #tpu.memory_space<vmem>>, vector<10000x128xf32>
    %add3A_19 = arith.addf %select_n3A, %get3A_18 : vector<10000x128xf32>
    %mul3A = arith.mulf %broadcast_in_dim3A_2, %add3A_19 : vector<10000x128xf32>
    %get3A_20 = arith.constant 0 : index
    %get3A_21 = arith.constant 0 : index
    %get3A_22 = vector.load %arg3[%get3A_20, %get3A_21] : memref<1x128xf32, #tpu.memory_space<vmem>>, vector<1x128xf32>
    %add3A_23 = vector.broadcast %get3A_22 : vector<1x128xf32> to vector<10000x128xf32>
    %add3A_24 = arith.addf %mul3A, %add3A_23 : vector<10000x128xf32>
    %max3A = arith.constant 0.000000e+00 : f32
    %max3A_25 = vector.broadcast %max3A : f32 to vector<10000x128xf32>
    %max3A_26 = arith.maximumf %add3A_24, %max3A_25 : vector<10000x128xf32>
    %get3A_27 = arith.constant 0 : index
    %get3A_28 = arith.constant 0 : index
    %get3A_29 = vector.load %arg4[%get3A_27, %get3A_28] : memref<128x128xf32, #tpu.memory_space<vmem>>, vector<128x128xf32>
    %dot_general3A = arith.constant dense<0.000000e+00> : vector<10000x128xf32>
    %dot_general3A_30 = tpu.matmul %max3A_26, %get3A_29, %dot_general3A {dimension_numbers = #tpu.dot_dimension_numbers<[1], [0], [0], [1], [0, 0, 1, 1], [], []>, transpose_lhs_hint = false} : vector<10000x128xf32>, vector<128x128xf32>, vector<10000x128xf32> -> vector<10000x128xf32>
    %get3A_31 = arith.constant 0 : index
    %get3A_32 = arith.constant 0 : index
    %get3A_33 = vector.load %arg5[%get3A_31, %get3A_32] : memref<1x128xf32, #tpu.memory_space<vmem>>, vector<1x128xf32>
    %add3A_34 = vector.broadcast %get3A_33 : vector<1x128xf32> to vector<10000x128xf32>
    %add3A_35 = arith.addf %dot_general3A_30, %add3A_34 : vector<10000x128xf32>
    %neg3A = arith.constant 0.000000e+00 : f32
    %neg3A_36 = vector.broadcast %neg3A : f32 to vector<10000x128xf32>
    %neg3A_37 = arith.subf %neg3A_36, %add3A_35 : vector<10000x128xf32>
    %exp3A = math.exp %neg3A_37 : vector<10000x128xf32>
    %add3A_38 = arith.constant 1.000000e+00 : f32
    %add3A_39 = vector.broadcast %add3A_38 : f32 to vector<10000x128xf32>
    %add3A_40 = arith.addf %add3A_39, %exp3A : vector<10000x128xf32>
    %div3A = arith.constant 1.000000e+00 : f32
    %div3A_41 = vector.broadcast %div3A : f32 to vector<10000x128xf32>
    %div3A_42 = arith.divf %div3A_41, %add3A_40 : vector<10000x128xf32>
    %get3A_43 = arith.constant 0 : index
    %get3A_44 = arith.constant 0 : index
    %get3A_45 = vector.load %arg6[%get3A_43, %get3A_44] : memref<128x128xf32, #tpu.memory_space<vmem>>, vector<128x128xf32>
    %dot_general3A_46 = arith.constant dense<0.000000e+00> : vector<10000x128xf32>
    %dot_general3A_47 = tpu.matmul %max3A_26, %get3A_45, %dot_general3A_46 {dimension_numbers = #tpu.dot_dimension_numbers<[1], [0], [0], [1], [0, 0, 1, 1], [], []>, transpose_lhs_hint = false} : vector<10000x128xf32>, vector<128x128xf32>, vector<10000x128xf32> -> vector<10000x128xf32>
    %get3A_48 = arith.constant 0 : index
    %get3A_49 = arith.constant 0 : index
    %get3A_50 = vector.load %arg7[%get3A_48, %get3A_49] : memref<1x128xf32, #tpu.memory_space<vmem>>, vector<1x128xf32>
    %add3A_51 = vector.broadcast %get3A_50 : vector<1x128xf32> to vector<10000x128xf32>
    %add3A_52 = arith.addf %dot_general3A_47, %add3A_51 : vector<10000x128xf32>
    %mul3A_53 = arith.mulf %div3A_42, %add3A_52 : vector<10000x128xf32>
    %reduce_sum3A = arith.constant dense<0.000000e+00> : vector<128xf32>
    %reduce_sum3A_54 = vector.multi_reduction <add>, %mul3A_53, %reduce_sum3A [0] : vector<10000x128xf32> to vector<128xf32>
    %broadcast_in_dim3A_55 = vector.shape_cast %reduce_sum3A_54 : vector<128xf32> to vector<1x128xf32>
    %get3A_56 = arith.constant 0 : index
    %get3A_57 = arith.constant 0 : index
    %get3A_58 = vector.load %arg8[%get3A_56, %get3A_57] : memref<128x1xf32, #tpu.memory_space<vmem>>, vector<128x1xf32>
    %dot_general3A_59 = arith.constant dense<0.000000e+00> : vector<1x1xf32>
    %dot_general3A_60 = tpu.matmul %broadcast_in_dim3A_55, %get3A_58, %dot_general3A_59 {dimension_numbers = #tpu.dot_dimension_numbers<[1], [0], [0], [1], [0, 0, 1, 1], [], []>, transpose_lhs_hint = false} : vector<1x128xf32>, vector<128x1xf32>, vector<1x1xf32> -> vector<1x1xf32>
    %get3A_61 = arith.constant 0 : index
    %get3A_62 = arith.constant 0 : index
    %get3A_63 = vector.load %arg9[%get3A_61, %get3A_62] : memref<1x1xf32, #tpu.memory_space<vmem>>, vector<1x1xf32>
    %add3A_64 = arith.addf %dot_general3A_60, %get3A_63 : vector<1x1xf32>
    %swap3A = arith.constant 0 : index
    %swap3A_65 = arith.constant 0 : index
    %swap3A_66 = vector.load %arg10[%swap3A, %swap3A_65] : memref<1x1xf32, #tpu.memory_space<vmem>>, vector<1x1xf32>
    tpu.vector_store %arg10[%swap3A, %swap3A_65], %add3A_64 {strides = array<i32>} : memref<1x1xf32, #tpu.memory_space<vmem>>, vector<1x1xf32>,
    return
  }
}

</mosaic_0001>

<sc_bundles>
// kernel: kernel.11.cloned.1.call-start
scs
__scs_entry_jumppad:
0x0: {  	(pc) =	sbr.rel $0x88, $3  }
0x1: {  	(tag) =	ssettag $0x0;
	lr =	simm.s32 $0x1  }
0x2: {  	[smem:$0x3F95] =	sst lr;
	_ =	strace $0xD0000000  }
0x3: {  	_ = 	snop  }
0x4: {  	_ = 	snop  }
0x5: {  	_ = 	snop  }
0x6: {  	_ = 	snop  }
0x7: {  	_ = 	snop  }
__scs_overlays_trampoline_lowered:
0x8: {  	[smem:$0x3FA4] =	sst s0  }
0x9: {  	[smem:$0x3FA5] =	sst s1  }
0xa: {  	[smem:$0x3FA6] =	sst s2  }
0xb: {  	[smem:$0x3FA7] =	sst s3  }
0xc: {  	[smem:$0x3FA8] =	sst s4  }
0xd: {  	[smem:$0x3FA9] =	sst s5  }
0xe: {  	[smem:$0x3FAA] =	sst s6  }
0xf: {  	[smem:$0x3FAB] =	sst s7  }
0x10: {  	[smem:$0x3FAC] =	sst s8  }
0x11: {  	[smem:$0x3FAD] =	sst s9;
	s0 =	simm.s32 @!p0 $0x0  }
0x12: {  	s1 =	sld [smem:$0x3F93];
	s0 =	simm.s32 @p0 $0x1  }
0x13: {  	[smem:$0x3FAE] =	sst s0;
	s0 =	simm.s32 @!p1 $0x0  }
0x14: {  	s2 =	sld [smem:$0x3F92];
	s0 =	simm.s32 @p1 $0x1  }
0x15: {  	[smem:$0x3FAF] =	sst s0;
	s0 =	simm.s32 @!p2 $0x0  }
0x16: {  	s3 =	sld [smem:$0x3FDB];
	s0 =	simm.s32 @p2 $0x1  }
0x17: {  	s4 =	simm.s32 $0x1BF5;
	[smem:$0x3FB1] =	sst s0  }
0x18: {  	s0 =	sld [smem:$0x3F94];
	_ =	swait.ge [sflag:s4], $0x0  }
0x19: {  	s7 =	sld [smem:$0x3F95]  }
0x1a: {  	s8 =	sadd.s32 $0xFFFFE003, lr  }
0x1b: {  	s9 =	sadd.s32 $0xFFFFFEF7, lr;
	s5 =	simm.s32 $0xFFFFFFFF;
	p2 =	slt.u32 s8, $0xFFFFF086  }
0x1c: {  	p1 =	slt.u32 s9, $0xF7A;
	s5 =	simm.s32 @!p2 $0x0  }
0x1d: {  	s5 =	simm.s32 @p1 $0x1;
	p0 =	seq.s32 s7, s2  }
0x1e: {  	s7 =	smul.u32 @!p0 $0xF7A, s2;
	p2 =	seq.s32 @!p0 s5, $0x0  }
0x1f: {  	s9 =	smul.u32 $0xF7A, s1;
	s8 =	simm.s32 @!p0 $0x1BF5;
	p2 =	por !p2, p0  }
0x20: {  	[sflag:s8] =	ssyncset.s32 @!p0 $0xFFFFF086;
	s6 =	sadd.s32 @!p0 s3, s7;
	s7 =	simm.s32 @!p0 $0x108  }
0x21: {  	s3 =	sadd.s32 s3, s9;
	s6 =	sadd.s32 @!p0 $0x88, s6;
	s7 =	simm.s32 @p2 $0x1082  }
0x22: {  	[simem:s7], [sflag:s8] =	dma.local @!p0 [hbm:s6], $0xF7A  }
0x23: {  	s9 =	sor.u32 $0xD0000000, s2;
	s6 =	simm.s32 $0x108;
	_ =	swait.ge @!p0 [sflag:s8], $0x0  }
0x24: {  	s3 =	sadd.s32 $0x88, s3;
	s6 =	simm.s32 @!p1 $0x1082;
	[sflag:s4] =	ssyncset.s32 $0xFFFFF086  }
0x25: {  	[simem:s6], [sflag:s4] =	dma.local [hbm:s3], $0xF7A  }
0x26: {  	[smem:$0x3F95] =	sst s1;
	(tag) =	ssettag s2;
	_ =	strace s9  }
0x27: {  	s1 =	sld [smem:$0x3FA5]  }
0x28: {  	s2 =	sld [smem:$0x3FA6]  }
0x29: {  	s4 =	sld [smem:$0x3FA8]  }
0x2a: {  	p0 =	seq.s32 s5, $0x0;
	s5 =	sld [smem:$0x3FA9]  }
0x2b: {  	s6 =	sld [smem:$0x3FAA]  }
0x2c: {  	s7 =	sld [smem:$0x3FAB]  }
0x2d: {  	s3 =	simm.s32 $0x108;
	s8 =	sld [smem:$0x3FAC]  }
0x2e: {  	s3 =	simm.s32 @!p0 $0x1082;
	s9 =	sld [smem:$0x3FAD]  }
0x2f: {  	lr =	sadd.s32 s0, s3;
	s0 =	sld [smem:$0x3FA4]  }
0x30: {  	s3 =	sld [smem:$0x3FA7]  }
0x31: {  	[smem:$0x3FB0] =	sst s10  }
0x32: {  	s10 =	sld [smem:$0x3FAE];
	_ =	sdelay $0x3  }
0x33: {  	p0 =	seq.s32 s10, $0x1;
	s10 =	sld [smem:$0x3FB0];
	_ =	sdelay $0x3  }
0x34: {  	[smem:$0x3FB0] =	sst s10  }
0x35: {  	s10 =	sld [smem:$0x3FAF];
	_ =	sdelay $0x3  }
0x36: {  	p1 =	seq.s32 s10, $0x1;
	s10 =	sld [smem:$0x3FB0];
	_ =	sdelay $0x3  }
0x37: {  	[smem:$0x3FB0] =	sst s10  }
0x38: {  	s10 =	sld [smem:$0x3FB1]  }
0x39: {  	_ = 	snop;
	(pc) =	sbr.ind lr, $3  }
0x3a: {  	_ = 	snop  }
0x3b: {  	_ = 	snop  }
0x3c: {  	p2 =	seq.s32 s10, $0x1;
	s10 =	sld [smem:$0x3FB0]  }
0x3d: {  	_ =	shalt  }
0x3e: {  	_ =	shalt  }
0x3f: {  	_ =	shalt  }
0x40: {  	_ =	shalt  }
0x41: {  	_ =	shalt  }
0x42: {  	_ =	shalt  }
0x43: {  	_ =	shalt  }
0x44: {  	_ =	shalt  }
0x45: {  	_ =	shalt  }
0x46: {  	_ =	shalt  }
0x47: {  	_ =	shalt  }
0x48: {  	_ =	shalt  }
0x49: {  	_ =	shalt  }
0x4a: {  	_ =	shalt  }
0x4b: {  	_ =	shalt  }
0x4c: {  	_ =	shalt  }
0x4d: {  	_ =	shalt  }
0x4e: {  	_ =	shalt  }
0x4f: {  	_ =	shalt  }
0x50: {  	_ =	shalt  }
0x51: {  	_ =	shalt  }
0x52: {  	_ =	shalt  }
0x53: {  	_ =	shalt  }
0x54: {  	_ =	shalt  }
0x55: {  	_ =	shalt  }
0x56: {  	_ =	shalt  }
0x57: {  	_ =	shalt  }
0x58: {  	_ =	shalt  }
0x59: {  	_ =	shalt  }
0x5a: {  	_ =	shalt  }
0x5b: {  	_ =	shalt  }
0x5c: {  	_ =	shalt  }
0x5d: {  	_ =	shalt  }
0x5e: {  	_ =	shalt  }
0x5f: {  	_ =	shalt  }
0x60: {  	_ =	shalt  }
0x61: {  	_ =	shalt  }
0x62: {  	_ =	shalt  }
0x63: {  	_ =	shalt  }
0x64: {  	_ =	shalt  }
0x65: {  	_ =	shalt  }
0x66: {  	_ =	shalt  }
0x67: {  	_ =	shalt  }
0x68: {  	_ =	shalt  }
0x69: {  	_ =	shalt  }
0x6a: {  	_ =	shalt  }
0x6b: {  	_ =	shalt  }
0x6c: {  	_ =	shalt  }
0x6d: {  	_ =	shalt  }
0x6e: {  	_ =	shalt  }
0x6f: {  	_ =	shalt  }
0x70: {  	_ =	shalt  }
0x71: {  	_ =	shalt  }
0x72: {  	_ =	shalt  }
0x73: {  	_ =	shalt  }
0x74: {  	_ =	shalt  }
0x75: {  	_ =	shalt  }
0x76: {  	_ =	shalt  }
0x77: {  	_ =	shalt  }
0x78: {  	_ =	shalt  }
0x79: {  	_ =	shalt  }
0x7a: {  	_ =	shalt  }
0x7b: {  	_ =	shalt  }
0x7c: {  	_ =	shalt  }
0x7d: {  	_ =	shalt  }
0x7e: {  	_ =	shalt  }
0x7f: {  	_ =	shalt  }
0x80: {  	_ =	shalt  }
0x81: {  	_ =	shalt  }
0x82: {  	_ =	shalt  }
0x83: {  	_ =	shalt  }
0x84: {  	_ =	shalt  }
0x85: {  	_ =	shalt  }
0x86: {  	_ =	shalt  }
0x87: {  	_ =	shalt  }
.Lfunc_end0:
.L_simem_size_0:
called_computation.1_lowered:
.L_overlay_start_0:
0x88: {  	s2 =	sld [smem:$0x3FD9]  }
0x89: {  	s3 =	sld [smem:$0x3FFE];
	_ =	sdelay $0x1  }
0x8a: {  	s1 =	srdreg.scid  }
0x8b: {  	s0 =	sand.u32 $0x1, s1  }
0x8c: {  	s16 =	sshll.u32 s0, $0xA;
	s2 =	sadd.s32 s3, s2  }
0x8d: {  	s2 =	sadd.s32 s2, s16  }
0x8e: {  	[smem:$0x3FBC] =	sst s2  }
0x8f: {  	_ = 	snop  }
0x90: {  	(tm) =	ssettm $0x1  }
0x91: {  	s17 =	sld [smem:$0x3FFB];
	_ =	sdelay $0x3  }
0x92: {  	_ =	strace s17  }
0x93: {  	s2 =	sld [smem:$0x3FFC];
	_ =	sdelay $0x3  }
0x94: {  	_ =	strace s2  }
0x95: {  	s2 =	sld [smem:$0x3FFD];
	_ =	sdelay $0x3  }
0x96: {  	_ =	strace s2  }
0x97: {  	_ =	strace $0x8FFFFFFF  }
0x98: {  	s18 =	sld [smem:$0x3FDB];
	_ =	sdelay $0x1  }
0x99: {  	s19 =	simm.s32 $_scs_section_size  }
0x9a: {  	s4 =	simm.s32 $_size__tile_overlayer_lowered;
	s5 =	simm.s32 $_tile_overlayer_lowered  }
0x9b: {  	s22 =	simm.s32 $0x1BFF;
	s21 =	sshll.u32 s5, $0x1;
	s2 =	sadd.s32 s19, s18  }
0x9c: {  	s6 =	simm.s32 $0x0;
	s20 =	sshll.u32 s4, $0x1;
	s4 =	sadd.s32 s21, s2  }
0x9d: {  	[timem:s6], [sflag:s22] =	dma.local [hbm:s4], s20  }
0x9e: {  	_ =	swait.ge [sflag:s22], s20  }
0x9f: {  	s3 =	ssub.s32 $0x0, s20;
	[sflag:s22] =	ssyncset.done $0x0  }
0xa0: {  	[sflag:s22] =	ssyncadd.s32 s3;
	_ =	sdelay $0x1  }
0xa1: {  	s23 =	simm.s32 $0x1B8B  }
0xa2: {  	_ =	swait.ge [sflag:s23], $0x1  }
0xa3: {  	[sflag:s23] =	ssyncset.done $0x0  }
0xa4: {  	s25 =	simm.s32 $0x1B8E;
	s24 =	sld [smem:$0x3FFE];
	[sflag:s23] =	ssyncadd.s32 $0xFFFFFFFF  }
0xa5: {  	s26 =	simm.s32 $execute0_lowered;
	[smem:$0x3FD2] =	sst s25  }
0xa6: {  	s4 =	sshll.u32 s26, $0x1;
	_ =	strace $0x80000049;
	[dreg:$0x1] =	wrdreg $0xFFFFFFFF  }
0xa7: {  	s28 =	simm.s32 $_size_execute0_lowered;
	s2 =	sadd.s32 s2, s4;
	[dreg:$0x0] =	wrdreg $0x0  }
0xa8: {  	s4 =	sshll.u32 s28, $0x1;
	[dreg:$0x2] =	wrdreg s2  }
0xa9: {  	[dreg:$0x3] =	wrdreg s4  }
0xaa: {  	[dreg:$0x4] =	wrdreg $0xC0  }
0xab: {  	_ =	task [dreg:s6], $0x5FFFF  }
0xac: {  	[dreg:$0x1] =	wrdreg $0xFFFFFFFF  }
0xad: {  	[dreg:$0x0] =	wrdreg $0x60  }
0xae: {  	[dreg:$0x2] =	wrdreg s24  }
0xaf: {  	[dreg:$0x3] =	wrdreg $0x68000  }
0xb0: {  	[dreg:$0x4] =	wrdreg $0xB8100  }
0xb1: {  	[dreg:$0x5] =	wrdreg $0x9  }
0xb2: {  	_ =	task.clear_ibuf [dreg:s6], $0x6FFFF;
	_ =	strace $0x90000049  }
0xb3: {  	s29 =	simm.s32 $0x9;
	_ =	strace $0x8000004B  }
0xb4: {  	_ =	swait.ge [sflag:s29], $0x1  }
0xb5: {  	[sflag:s29] =	ssyncadd.s32 $0xFFFFFFFF  }
0xb6: {  	_ =	strace $0x9000004B  }
0xb7: {  	_ =	sfence  }
0xb8: {  	s30 =	sld [smem:$0x0];
	_ =	sdelay $0x2  }
0xb9: {  	s31 =	sshll.u32 s1, $0xD;
	s1 =	sshrl.u32 s1, $0x2  }
0xba: {  	s3 =	sand.u32 $0x4000, s31;
	s1 =	sadd.s32 s1, s30  }
0xbb: {  	s0 =	sor.u32 s3, s0;
	s1 =	sshll.u32 s1, $0x11  }
0xbc: {  	s0 =	sor.u32 s1, s0  }
0xbd: {  	s0 =	sadd.s32 $0x8F2B, s0  }
0xbe: {  	[sflag:s0] =	ssyncadd.remote.s32 $0x1  }
0xbf: {  	_ =	sfence.sel $0xFFFF  }
0xc0: {  	[dreg:$0x0] =	wrdreg $0xFFFFFFFF;
	(pc) =	sbr.abs _section_cstart, $3  }
0xc1: {  	[dreg:$0x1] =	wrdreg $0xFFFFFFFF  }
0xc2: {  	_ =	task.clear_ibuf [dreg:s6], $0x2FFFF;
	_ =	strace $0x9FFFFFFF  }
0xc3: {  	(tm) =	ssettm $0x7FFFFFFF  }
tec
execute0_lowered:
.L_overlay_start_1:
0x0: {  	(tag) =	ssettag $0x1  }
0x1: {  	s1 =	rddreg [dreg:$0x0]  }
0x2: {  	s0 =	srdreg.scid;
	s2 =	rddreg [dreg:$0x1]  }
0x3: {  	s11 =	stileid.u32;
	s3 =	rddreg [dreg:$0x2]  }
0x4: {  	s13 =	simm.s32 $0x1400;
	s17 =	simm.s32 $0x1;
	s30 =	simm.s32 $0x5800  }
0x5: {  	s28 =	simm.s32 $0x6;
	s31 =	simm.s32 $0x7;
	s5 =	smul.u32 $0x14000, s11  }
0x6: {  	s29 =	simm.s32 $0x0;
	s0 =	sand.u32 $0x1, s0;
	s8 =	smul.u32 $0x5000, s11  }
0x7: {  	s4 =	sshll.u32 s0, $0x4;
	s9 =	smul.u32 $0x140000, s0;
	s0 =	ssub.s32 $0x2, s0  }
0x8: {  	s6 =	sor.u32 s11, s4;
	s4 =	simm.s32 $0x0;
	s7 =	sshrl.u32 s5, $0x3  }
0x9: {  	s18 =	sshrl.u32 s8, $0x3;
	s20 =	sshrl.u32 s0, $0x1;
	s23 =	sadd.s32 s8, s2  }
0xa: {  	s26 =	sadd.s32 s8, s3;
	s6 =	smul.u32 $0x1400, s6;
	[smem:$0x7FF] =	sst s4  }
0xb: {  	s10 =	sadd.s32 s7, s1;
	s5 =	sadd.s32 s5, s9;
	s19 =	sadd.s32 s18, s1  }
0xc: {  	s0 =	ssub.s32 s0, s20;
	s7 =	sshll.u32 s11, $0x6;
	s14 =	sshrl.u32 s23, $0x3  }
0xd: {  	s16 =	sshrl.u32 s26, $0x3;
	s18 =	simm.s32 $0x4;
	s20 =	simm.s32 $0x2  }
0xe: {  	s23 =	simm.s32 $0x2800;
	s26 =	simm.s32 $0x4800;
	_ =	strace $0x8000004A  }
0xf: {  	s5 =	sshrl.u32 s5, $0x3;
	s24 =	sadd.s32 $0x3E00, s19;
	s25 =	sor.u32 $0x1C03, s7  }
0x10: {  	s10 =	sadd.s32 $0x18E00, s10;
	s12 =	smax.u32 s0, $0x1;
	s15 =	sor.u32 $0x1C04, s7  }
0x11: {  	s19 =	simm.s32 $0x10;
	s0 =	simm.s32 $0x8;
	[dreg:$0x6] =	wrdreg s24  }
.Ltmp0:
0x12: {  	s6 =	sshrl.u32 s6, $0x3;
	[dreg:$0x7] =	wrdreg s25;
	(pc) =	sbr.rel .LBB2_1-.Ltmp0, $4  }
0x13: {  	s24 =	simm.s32 $0x3800;
	s25 =	simm.s32 $0x9;
	s6 =	sadd.s32 s6, s1  }
0x14: {  	s1 =	sadd.s32 s5, s1;
	s21 =	sadd.s32 $0xEE00, s6;
	s22 =	sadd.s32 $0x13E00, s6  }
0x15: {  	s11 =	sadd.s32 $0x40E00, s1;
	s1 =	simm.s32 $0x5;
	[dreg:$0x4] =	wrdreg s21  }
0x16: {  	[dreg:$0x5] =	wrdreg s22;
	s21 =	simm.s32 $0x3;
	s22 =	simm.s32 $0x80  }
.LBB2_4:
0x17: {  	_ =	swait.ge [sflag:s18], $0x1000  }
0x18: {  	[sflag:s18] =	ssyncset.done $0x0  }
0x19: {  	[sflag:s18] =	ssyncadd.s32 $0xFFFFF000  }
0x1a: {  	[spmem:s2] =	stream.indirect.scatter.add.f32 [tilespmem:s30], [sflag:$0x8], $0x20, s8, s22, $0xb8;
	[tilespmem:$0x10820] =	vst v63  }
0x1b: {  	_ =	swait.ge [sflag:s28], $0x1000  }
0x1c: {  	[sflag:s28] =	ssyncset.done $0x0  }
0x1d: {  	[sflag:s28] =	ssyncadd.s32 $0xFFFFF000  }
0x1e: {  	_ =	swait.ge [sflag:s31], $0x1000  }
0x1f: {  	[sflag:s31] =	ssyncset.done $0x0  }
0x20: {  	[sflag:s31] =	ssyncadd.s32 $0xFFFFF000  }
0x21: {  	_ =	swait.ge [sflag:s0], $0x1000  }
0x22: {  	s29 =	sadd.s32 $0x1, s29;
	[sflag:s0] =	ssyncset.done $0x0  }
0x23: {  	p0 =	sne.s32 s29, s12;
	[sflag:s0] =	ssyncadd.s32 $0xFFFFF000  }
.Ltmp1:
0x24: {  	s5 =	sor.u32 $0x1C09, s7;
	[bflag:$0x0] =	sbarrier.arrive $0xFFFF;
	(pc) =	sbr.rel @!p0 .LBB2_5-.Ltmp1, $4  }
0x25: {  	[hbm:s11@s19], [sflag:s5] =	dma.strided [spmem:s14@s18], $0xA00, s17, $0x4   }
0x26: {  	_ =	swait.ge [sflag:s25], $0xA00  }
0x27: {  	[sflag:s25] =	ssyncset.done $0x0  }
0x28: {  	[sflag:s25] =	ssyncadd.s32 $0xFFFFF600  }
.LBB2_1:
0x29: {  	s5 =	rddreg [dreg:$0x4]  }
0x2a: {  	s6 =	rddreg [dreg:$0x5]  }
0x2b: {  	[tilespmem:s4], [sflag:$0x1] =	stream.linear.gather [hbm4b:s5+s4], $0x1400, $0x38;
	[tilespmem:$0x10820] =	vst v63  }
0x2c: {  	s8 =	rddreg [dreg:$0x6]  }
0x2d: {  	[tilespmem:s13], [sflag:$0x2] =	stream.linear.gather [hbm4b:s6+s4], $0x1400, $0x38;
	[tilespmem:$0x10820] =	vst v63  }
0x2e: {  	s6 =	rddreg [dreg:$0x7]  }
0x2f: {  	[spmem:s14], [sflag:s6] =	dma.local [hbm:s8], $0xA00  }
0x30: {  	[spmem:s16@s18], [sflag:s15] =	dma.strided [hbm:s10@s19], $0xA00, s17, $0x4   }
0x31: {  	_ =	swait.ge [sflag:s17], $0x1400  }
0x32: {  	[sflag:s17] =	ssyncset.done $0x0  }
0x33: {  	[sflag:s17] =	ssyncadd.s32 $0xFFFFEC00  }
0x34: {  	_ =	swait.ge [sflag:s20], $0x1400  }
0x35: {  	[sflag:s20] =	ssyncset.done $0x0  }
0x36: {  	[sflag:s20] =	ssyncadd.s32 $0xFFFFEC00  }
0x37: {  	_ =	swait.ge [sflag:s21], $0xA00  }
0x38: {  	[sflag:s21] =	ssyncset.done $0x0  }
0x39: {  	[sflag:s21] =	ssyncadd.s32 $0xFFFFF600  }
0x3a: {  	_ =	swait.ge [sflag:s18], $0xA00  }
0x3b: {  	[sflag:s18] =	ssyncset.done $0x0  }
0x3c: {  	[sflag:s18] =	ssyncadd.s32 $0xFFFFF600  }
0x3d: {  	[bflag:$0x0] =	sbarrier.arrive $0xFFFF  }
0x3e: {  	[tilespmem:s23], [sflag:$0x1] =	stream.indirect.gather [spmem:s3], $0x20, s4, s22, $0xb8;
	[tilespmem:$0x10820] =	vst v63  }
0x3f: {  	_ = 	snop  }
0x40: {  	[tilespmem:s24], [sflag:$0x2] =	stream.indirect.gather [spmem:s3], $0x20, s22, s22, $0xb8;
	[tilespmem:$0x10820] =	vst v63  }
0x41: {  	_ =	swait.ge [sflag:s17], $0x1000  }
0x42: {  	[sflag:s17] =	ssyncset.done $0x0  }
0x43: {  	[sflag:s17] =	ssyncadd.s32 $0xFFFFF000  }
0x44: {  	[spmem:s2] =	stream.indirect.scatter.add.f32 [tilespmem:s23], [sflag:$0x5], $0x20, s13, s22, $0xb8;
	[tilespmem:$0x10820] =	vst v63  }
0x45: {  	s9 =	simm.s32 $0x100  }
0x46: {  	[tilespmem:s26], [sflag:$0x3] =	stream.indirect.gather [spmem:s3], $0x20, s9, s22, $0xb8;
	[tilespmem:$0x10820] =	vst v63  }
0x47: {  	_ =	swait.ge [sflag:s20], $0x1000  }
0x48: {  	[sflag:s20] =	ssyncset.done $0x0  }
0x49: {  	s6 =	simm.s32 $0x1480;
	[sflag:s20] =	ssyncadd.s32 $0xFFFFF000  }
0x4a: {  	[spmem:s2] =	stream.indirect.scatter.add.f32 [tilespmem:s24], [sflag:$0x6], $0x20, s6, s22, $0xb8;
	[tilespmem:$0x10820] =	vst v63  }
0x4b: {  	s8 =	simm.s32 $0x180  }
0x4c: {  	[tilespmem:s30], [sflag:$0x4] =	stream.indirect.gather [spmem:s3], $0x20, s8, s22, $0xb8;
	[tilespmem:$0x10820] =	vst v63  }
0x4d: {  	_ =	swait.ge [sflag:s21], $0x1000  }
0x4e: {  	[sflag:s21] =	ssyncset.done $0x0  }
0x4f: {  	s9 =	simm.s32 $0x1500;
	[sflag:s21] =	ssyncadd.s32 $0xFFFFF000  }
0x50: {  	[spmem:s2] =	stream.indirect.scatter.add.f32 [tilespmem:s26], [sflag:$0x7], $0x20, s9, s22, $0xb8;
	[tilespmem:$0x10820] =	vst v63  }
0x51: {  	_ =	swait.ge [sflag:s1], $0x1000  }
0x52: {  	[sflag:s1] =	ssyncset.done $0x0  }
0x53: {  	s6 =	simm.s32 $0x200;
	[sflag:s1] =	ssyncadd.s32 $0xFFFFF000  }
0x54: {  	[tilespmem:s23], [sflag:$0x1] =	stream.indirect.gather [spmem:s3], $0x20, s6, s22, $0xb8;
	[tilespmem:$0x10820] =	vst v63  }
0x55: {  	_ =	swait.ge [sflag:s18], $0x1000  }
0x56: {  	[sflag:s18] =	ssyncset.done $0x0  }
0x57: {  	s8 =	simm.s32 $0x1580;
	[sflag:s18] =	ssyncadd.s32 $0xFFFFF000  }
0x58: {  	[spmem:s2] =	stream.indirect.scatter.add.f32 [tilespmem:s30], [sflag:$0x8], $0x20, s8, s22, $0xb8;
	[tilespmem:$0x10820] =	vst v63  }
0x59: {  	_ =	swait.ge [sflag:s28], $0x1000  }
0x5a: {  	[sflag:s28] =	ssyncset.done $0x0  }
0x5b: {  	s5 =	simm.s32 $0x0;
	s9 =	simm.s32 $0x280;
	[sflag:s28] =	ssyncadd.s32 $0xFFFFF000  }
0x5c: {  	[tilespmem:s24], [sflag:$0x2] =	stream.indirect.gather [spmem:s3], $0x20, s9, s22, $0xb8;
	[tilespmem:$0x10820] =	vst v63  }
.LBB2_2:
0x5d: {  	_ =	swait.ge [sflag:s17], $0x1000  }
0x5e: {  	s6 =	sshra.s32 s5, $0x2;
	[sflag:s17] =	ssyncset.done $0x0  }
0x5f: {  	s8 =	sadd.s32 $0x1600, s6;
	[sflag:s17] =	ssyncadd.s32 $0xFFFFF000  }
0x60: {  	[spmem:s2] =	stream.indirect.scatter.add.f32 [tilespmem:s23], [sflag:$0x5], $0x20, s8, s22, $0xb8;
	[tilespmem:$0x10820] =	vst v63  }
0x61: {  	_ =	swait.ge [sflag:s31], $0x1000  }
0x62: {  	[sflag:s31] =	ssyncset.done $0x0  }
0x63: {  	s9 =	sadd.s32 $0x300, s6;
	[sflag:s31] =	ssyncadd.s32 $0xFFFFF000  }
0x64: {  	[tilespmem:s26], [sflag:$0x3] =	stream.indirect.gather [spmem:s3], $0x20, s9, s22, $0xb8;
	[tilespmem:$0x10820] =	vst v63  }
0x65: {  	_ =	swait.ge [sflag:s20], $0x1000  }
0x66: {  	[sflag:s20] =	ssyncset.done $0x0  }
0x67: {  	s9 =	sadd.s32 $0x1680, s6;
	[sflag:s20] =	ssyncadd.s32 $0xFFFFF000  }
0x68: {  	[spmem:s2] =	stream.indirect.scatter.add.f32 [tilespmem:s24], [sflag:$0x6], $0x20, s9, s22, $0xb8;
	[tilespmem:$0x10820] =	vst v63  }
0x69: {  	_ =	swait.ge [sflag:s0], $0x1000  }
0x6a: {  	[sflag:s0] =	ssyncset.done $0x0  }
0x6b: {  	s9 =	sadd.s32 $0x380, s6;
	[sflag:s0] =	ssyncadd.s32 $0xFFFFF000  }
0x6c: {  	[tilespmem:s30], [sflag:$0x4] =	stream.indirect.gather [spmem:s3], $0x20, s9, s22, $0xb8;
	[tilespmem:$0x10820] =	vst v63  }
0x6d: {  	_ =	swait.ge [sflag:s21], $0x1000  }
0x6e: {  	p0 =	seq.s32 s5, $0x4000;
	[sflag:s21] =	ssyncset.done $0x0  }
.Ltmp2:
0x6f: {  	s9 =	sadd.s32 $0x1700, s6;
	[sflag:s21] =	ssyncadd.s32 $0xFFFFF000;
	(pc) =	sbr.rel @p0 .LBB2_4-.Ltmp2, $4  }
0x70: {  	[spmem:s2] =	stream.indirect.scatter.add.f32 [tilespmem:s26], [sflag:$0x7], $0x20, s9, s22, $0xb8;
	[tilespmem:$0x10820] =	vst v63  }
0x71: {  	_ =	swait.ge [sflag:s1], $0x1000  }
0x72: {  	[sflag:s1] =	ssyncset.done $0x0  }
0x73: {  	s8 =	sadd.s32 $0x1780, s6;
	[sflag:s1] =	ssyncadd.s32 $0xFFFFF000  }
0x74: {  	s9 =	sadd.s32 $0x400, s6  }
0x75: {  	[tilespmem:s23], [sflag:$0x1] =	stream.indirect.gather [spmem:s3], $0x20, s9, s22, $0xb8;
	[tilespmem:$0x10820] =	vst v63  }
0x76: {  	_ =	swait.ge [sflag:s18], $0x1000  }
0x77: {  	[sflag:s18] =	ssyncset.done $0x0  }
0x78: {  	[sflag:s18] =	ssyncadd.s32 $0xFFFFF000  }
0x79: {  	[spmem:s2] =	stream.indirect.scatter.add.f32 [tilespmem:s30], [sflag:$0x8], $0x20, s8, s22, $0xb8;
	[tilespmem:$0x10820] =	vst v63  }
.Ltmp3:
0x7a: {  	_ = 	snop;
	(pc) =	sbr.rel .LBB2_2-.Ltmp3, $4  }
0x7b: {  	_ =	swait.ge [sflag:s28], $0x1000  }
0x7c: {  	[sflag:s28] =	ssyncset.done $0x0  }
0x7d: {  	s5 =	sadd.s32 $0x800, s5;
	s9 =	sadd.s32 $0x480, s6;
	[sflag:s28] =	ssyncadd.s32 $0xFFFFF000  }
0x7e: {  	[tilespmem:s24], [sflag:$0x2] =	stream.indirect.gather [spmem:s3], $0x20, s9, s22, $0xb8;
	[tilespmem:$0x10820] =	vst v63  }
.LBB2_5:
0x7f: {  	_ =	sfence.sel $0x180000  }
0x80: {  	[bflag:$0x0] =	sbarrier.arrive $0xFFFF  }
0x81: {  	_ =	strace $0x9000004A  }
0x82: {  	s0 =	stileid.u32;
	[bflag:$0x2] =	sbarrier.arrive $0xFFFF  }
0x83: {  	p0 =	sne.s32 s0, $0x0;
	s0 =	rddreg [dreg:$0x3]  }
0x84: {  	s0 =	sadd.s32 @!p0 $0x100000, s0  }
0x85: {  	[sflag:s0] =	ssyncadd.tile.s32 @!p0 $0x1;
	_ =	shalt  }
.Lfunc_end2:
_tile_overlayer_lowered:
.L_overlay_start_2:
0x86: {  	(tag) =	ssettag $0x2  }
0x87: {  	s0 =	rddreg [dreg:$0x0];
	s2 =	stileid.u32  }
0x88: {  	s1 =	rddreg [dreg:$0x1];
	p0 =	sne.s32 s2, $0x0  }
0x89: {  	s3 =	rddreg [dreg:$0x2];
	[bflag:$0x3] =	sbarrier.arrive $0xFFFF;
	s2 =	simm.s32 @!p0 $0x1C09  }
0x8a: {  	[timem:s3], [sflag:s2] =	dma.local @!p0 [hbm:s0], s1  }
0x8b: {  	s0 =	simm.s32 @!p0 $0x9  }
0x8c: {  	_ =	swait.ge @!p0 [sflag:s0], s1  }
0x8d: {  	s1 =	ssub.s32 @!p0 $0x0, s1;
	[sflag:s0] =	ssyncset.done @!p0 $0x0  }
0x8e: {  	[sflag:s0] =	ssyncadd.s32 @!p0 s1  }
0x8f: {  	[bflag:$0x3] =	sbarrier.arrive $0xFFFF  }
0x90: {  	_ =	shalt  }

// kernel: kernel.14.cloned.1.call-start
scs
__scs_entry_jumppad:
0x0: {  	(pc) =	sbr.rel $0x88, $3  }
0x1: {  	(tag) =	ssettag $0x0;
	lr =	simm.s32 $0x1  }
0x2: {  	[smem:$0x3F95] =	sst lr;
	_ =	strace $0xD0000000  }
0x3: {  	_ = 	snop  }
0x4: {  	_ = 	snop  }
0x5: {  	_ = 	snop  }
0x6: {  	_ = 	snop  }
0x7: {  	_ = 	snop  }
__scs_overlays_trampoline_lowered:
0x8: {  	[smem:$0x3FA4] =	sst s0  }
0x9: {  	[smem:$0x3FA5] =	sst s1  }
0xa: {  	[smem:$0x3FA6] =	sst s2  }
0xb: {  	[smem:$0x3FA7] =	sst s3  }
0xc: {  	[smem:$0x3FA8] =	sst s4  }
0xd: {  	[smem:$0x3FA9] =	sst s5  }
0xe: {  	[smem:$0x3FAA] =	sst s6  }
0xf: {  	[smem:$0x3FAB] =	sst s7  }
0x10: {  	[smem:$0x3FAC] =	sst s8  }
0x11: {  	[smem:$0x3FAD] =	sst s9;
	s0 =	simm.s32 @!p0 $0x0  }
0x12: {  	s1 =	sld [smem:$0x3F93];
	s0 =	simm.s32 @p0 $0x1  }
0x13: {  	[smem:$0x3FAE] =	sst s0;
	s0 =	simm.s32 @!p1 $0x0  }
0x14: {  	s2 =	sld [smem:$0x3F92];
	s0 =	simm.s32 @p1 $0x1  }
0x15: {  	[smem:$0x3FAF] =	sst s0;
	s0 =	simm.s32 @!p2 $0x0  }
0x16: {  	s3 =	sld [smem:$0x3FDB];
	s0 =	simm.s32 @p2 $0x1  }
0x17: {  	s4 =	simm.s32 $0x1BF5;
	[smem:$0x3FB1] =	sst s0  }
0x18: {  	s0 =	sld [smem:$0x3F94];
	_ =	swait.ge [sflag:s4], $0x0  }
0x19: {  	s7 =	sld [smem:$0x3F95]  }
0x1a: {  	s8 =	sadd.s32 $0xFFFFE003, lr  }
0x1b: {  	s9 =	sadd.s32 $0xFFFFFEF7, lr;
	s5 =	simm.s32 $0xFFFFFFFF;
	p2 =	slt.u32 s8, $0xFFFFF086  }
0x1c: {  	p1 =	slt.u32 s9, $0xF7A;
	s5 =	simm.s32 @!p2 $0x0  }
0x1d: {  	s5 =	simm.s32 @p1 $0x1;
	p0 =	seq.s32 s7, s2  }
0x1e: {  	s7 =	smul.u32 @!p0 $0xF7A, s2;
	p2 =	seq.s32 @!p0 s5, $0x0  }
0x1f: {  	s9 =	smul.u32 $0xF7A, s1;
	s8 =	simm.s32 @!p0 $0x1BF5;
	p2 =	por !p2, p0  }
0x20: {  	[sflag:s8] =	ssyncset.s32 @!p0 $0xFFFFF086;
	s6 =	sadd.s32 @!p0 s3, s7;
	s7 =	simm.s32 @!p0 $0x108  }
0x21: {  	s3 =	sadd.s32 s3, s9;
	s6 =	sadd.s32 @!p0 $0x88, s6;
	s7 =	simm.s32 @p2 $0x1082  }
0x22: {  	[simem:s7], [sflag:s8] =	dma.local @!p0 [hbm:s6], $0xF7A  }
0x23: {  	s9 =	sor.u32 $0xD0000000, s2;
	s6 =	simm.s32 $0x108;
	_ =	swait.ge @!p0 [sflag:s8], $0x0  }
0x24: {  	s3 =	sadd.s32 $0x88, s3;
	s6 =	simm.s32 @!p1 $0x1082;
	[sflag:s4] =	ssyncset.s32 $0xFFFFF086  }
0x25: {  	[simem:s6], [sflag:s4] =	dma.local [hbm:s3], $0xF7A  }
0x26: {  	[smem:$0x3F95] =	sst s1;
	(tag) =	ssettag s2;
	_ =	strace s9  }
0x27: {  	s1 =	sld [smem:$0x3FA5]  }
0x28: {  	s2 =	sld [smem:$0x3FA6]  }
0x29: {  	s4 =	sld [smem:$0x3FA8]  }
0x2a: {  	p0 =	seq.s32 s5, $0x0;
	s5 =	sld [smem:$0x3FA9]  }
0x2b: {  	s6 =	sld [smem:$0x3FAA]  }
0x2c: {  	s7 =	sld [smem:$0x3FAB]  }
0x2d: {  	s3 =	simm.s32 $0x108;
	s8 =	sld [smem:$0x3FAC]  }
0x2e: {  	s3 =	simm.s32 @!p0 $0x1082;
	s9 =	sld [smem:$0x3FAD]  }
0x2f: {  	lr =	sadd.s32 s0, s3;
	s0 =	sld [smem:$0x3FA4]  }
0x30: {  	s3 =	sld [smem:$0x3FA7]  }
0x31: {  	[smem:$0x3FB0] =	sst s10  }
0x32: {  	s10 =	sld [smem:$0x3FAE];
	_ =	sdelay $0x3  }
0x33: {  	p0 =	seq.s32 s10, $0x1;
	s10 =	sld [smem:$0x3FB0];
	_ =	sdelay $0x3  }
0x34: {  	[smem:$0x3FB0] =	sst s10  }
0x35: {  	s10 =	sld [smem:$0x3FAF];
	_ =	sdelay $0x3  }
0x36: {  	p1 =	seq.s32 s10, $0x1;
	s10 =	sld [smem:$0x3FB0];
	_ =	sdelay $0x3  }
0x37: {  	[smem:$0x3FB0] =	sst s10  }
0x38: {  	s10 =	sld [smem:$0x3FB1]  }
0x39: {  	_ = 	snop;
	(pc) =	sbr.ind lr, $3  }
0x3a: {  	_ = 	snop  }
0x3b: {  	_ = 	snop  }
0x3c: {  	p2 =	seq.s32 s10, $0x1;
	s10 =	sld [smem:$0x3FB0]  }
0x3d: {  	_ =	shalt  }
0x3e: {  	_ =	shalt  }
0x3f: {  	_ =	shalt  }
0x40: {  	_ =	shalt  }
0x41: {  	_ =	shalt  }
0x42: {  	_ =	shalt  }
0x43: {  	_ =	shalt  }
0x44: {  	_ =	shalt  }
0x45: {  	_ =	shalt  }
0x46: {  	_ =	shalt  }
0x47: {  	_ =	shalt  }
0x48: {  	_ =	shalt  }
0x49: {  	_ =	shalt  }
0x4a: {  	_ =	shalt  }
0x4b: {  	_ =	shalt  }
0x4c: {  	_ =	shalt  }
0x4d: {  	_ =	shalt  }
0x4e: {  	_ =	shalt  }
0x4f: {  	_ =	shalt  }
0x50: {  	_ =	shalt  }
0x51: {  	_ =	shalt  }
0x52: {  	_ =	shalt  }
0x53: {  	_ =	shalt  }
0x54: {  	_ =	shalt  }
0x55: {  	_ =	shalt  }
0x56: {  	_ =	shalt  }
0x57: {  	_ =	shalt  }
0x58: {  	_ =	shalt  }
0x59: {  	_ =	shalt  }
0x5a: {  	_ =	shalt  }
0x5b: {  	_ =	shalt  }
0x5c: {  	_ =	shalt  }
0x5d: {  	_ =	shalt  }
0x5e: {  	_ =	shalt  }
0x5f: {  	_ =	shalt  }
0x60: {  	_ =	shalt  }
0x61: {  	_ =	shalt  }
0x62: {  	_ =	shalt  }
0x63: {  	_ =	shalt  }
0x64: {  	_ =	shalt  }
0x65: {  	_ =	shalt  }
0x66: {  	_ =	shalt  }
0x67: {  	_ =	shalt  }
0x68: {  	_ =	shalt  }
0x69: {  	_ =	shalt  }
0x6a: {  	_ =	shalt  }
0x6b: {  	_ =	shalt  }
0x6c: {  	_ =	shalt  }
0x6d: {  	_ =	shalt  }
0x6e: {  	_ =	shalt  }
0x6f: {  	_ =	shalt  }
0x70: {  	_ =	shalt  }
0x71: {  	_ =	shalt  }
0x72: {  	_ =	shalt  }
0x73: {  	_ =	shalt  }
0x74: {  	_ =	shalt  }
0x75: {  	_ =	shalt  }
0x76: {  	_ =	shalt  }
0x77: {  	_ =	shalt  }
0x78: {  	_ =	shalt  }
0x79: {  	_ =	shalt  }
0x7a: {  	_ =	shalt  }
0x7b: {  	_ =	shalt  }
0x7c: {  	_ =	shalt  }
0x7d: {  	_ =	shalt  }
0x7e: {  	_ =	shalt  }
0x7f: {  	_ =	shalt  }
0x80: {  	_ =	shalt  }
0x81: {  	_ =	shalt  }
0x82: {  	_ =	shalt  }
0x83: {  	_ =	shalt  }
0x84: {  	_ =	shalt  }
0x85: {  	_ =	shalt  }
0x86: {  	_ =	shalt  }
0x87: {  	_ =	shalt  }
.Lfunc_end0:
.L_simem_size_0:
called_computation.2_lowered:
.L_overlay_start_0:
0x88: {  	s2 =	sld [smem:$0x3FD9]  }
0x89: {  	s3 =	sld [smem:$0x3FFE];
	_ =	sdelay $0x1  }
0x8a: {  	s1 =	srdreg.scid  }
0x8b: {  	s0 =	sand.u32 $0x1, s1  }
0x8c: {  	s16 =	sshll.u32 s0, $0xA;
	s2 =	sadd.s32 s3, s2  }
0x8d: {  	s2 =	sadd.s32 s2, s16  }
0x8e: {  	[smem:$0x3FBC] =	sst s2  }
0x8f: {  	_ = 	snop  }
0x90: {  	(tm) =	ssettm $0x1  }
0x91: {  	s17 =	sld [smem:$0x3FFB];
	_ =	sdelay $0x3  }
0x92: {  	_ =	strace s17  }
0x93: {  	s2 =	sld [smem:$0x3FFC];
	_ =	sdelay $0x3  }
0x94: {  	_ =	strace s2  }
0x95: {  	s2 =	sld [smem:$0x3FFD];
	_ =	sdelay $0x3  }
0x96: {  	_ =	strace s2  }
0x97: {  	_ =	strace $0x8FFFFFFF  }
0x98: {  	s18 =	sld [smem:$0x3FDB];
	_ =	sdelay $0x1  }
0x99: {  	s19 =	simm.s32 $_scs_section_size  }
0x9a: {  	s4 =	simm.s32 $_size__tile_overlayer_lowered;
	s5 =	simm.s32 $_tile_overlayer_lowered  }
0x9b: {  	s22 =	simm.s32 $0x1BFF;
	s21 =	sshll.u32 s5, $0x1;
	s2 =	sadd.s32 s19, s18  }
0x9c: {  	s6 =	simm.s32 $0x0;
	s20 =	sshll.u32 s4, $0x1;
	s4 =	sadd.s32 s21, s2  }
0x9d: {  	[timem:s6], [sflag:s22] =	dma.local [hbm:s4], s20  }
0x9e: {  	_ =	swait.ge [sflag:s22], s20  }
0x9f: {  	s3 =	ssub.s32 $0x0, s20;
	[sflag:s22] =	ssyncset.done $0x0  }
0xa0: {  	[sflag:s22] =	ssyncadd.s32 s3;
	_ =	sdelay $0x1  }
0xa1: {  	s23 =	simm.s32 $0x1B8B  }
0xa2: {  	_ =	swait.ge [sflag:s23], $0x1  }
0xa3: {  	[sflag:s23] =	ssyncset.done $0x0  }
0xa4: {  	s25 =	simm.s32 $0x1B8E;
	s24 =	sld [smem:$0x3FFE];
	[sflag:s23] =	ssyncadd.s32 $0xFFFFFFFF  }
0xa5: {  	s26 =	simm.s32 $execute0_lowered;
	[smem:$0x3FD2] =	sst s25  }
0xa6: {  	s4 =	sshll.u32 s26, $0x1;
	_ =	strace $0x8000004C;
	[dreg:$0x1] =	wrdreg $0xFFFFFFFF  }
0xa7: {  	s28 =	simm.s32 $_size_execute0_lowered;
	s2 =	sadd.s32 s2, s4;
	[dreg:$0x0] =	wrdreg $0x0  }
0xa8: {  	s4 =	sshll.u32 s28, $0x1;
	[dreg:$0x2] =	wrdreg s2  }
0xa9: {  	[dreg:$0x3] =	wrdreg s4  }
0xaa: {  	[dreg:$0x4] =	wrdreg $0xC0  }
0xab: {  	_ =	task [dreg:s6], $0x5FFFF  }
0xac: {  	[dreg:$0x1] =	wrdreg $0xFFFFFFFF  }
0xad: {  	[dreg:$0x0] =	wrdreg $0x60  }
0xae: {  	[dreg:$0x2] =	wrdreg s24  }
0xaf: {  	[dreg:$0x3] =	wrdreg $0x68000  }
0xb0: {  	[dreg:$0x4] =	wrdreg $0xB8100  }
0xb1: {  	[dreg:$0x5] =	wrdreg $0x9  }
0xb2: {  	_ =	task.clear_ibuf [dreg:s6], $0x6FFFF;
	_ =	strace $0x9000004C  }
0xb3: {  	s29 =	simm.s32 $0x9;
	_ =	strace $0x8000004E  }
0xb4: {  	_ =	swait.ge [sflag:s29], $0x1  }
0xb5: {  	[sflag:s29] =	ssyncadd.s32 $0xFFFFFFFF  }
0xb6: {  	_ =	strace $0x9000004E  }
0xb7: {  	_ =	sfence  }
0xb8: {  	s30 =	sld [smem:$0x0];
	_ =	sdelay $0x2  }
0xb9: {  	s31 =	sshll.u32 s1, $0xD;
	s1 =	sshrl.u32 s1, $0x2  }
0xba: {  	s3 =	sand.u32 $0x4000, s31;
	s1 =	sadd.s32 s1, s30  }
0xbb: {  	s0 =	sor.u32 s3, s0;
	s1 =	sshll.u32 s1, $0x11  }
0xbc: {  	s0 =	sor.u32 s1, s0  }
0xbd: {  	s0 =	sadd.s32 $0x8F2B, s0  }
0xbe: {  	[sflag:s0] =	ssyncadd.remote.s32 $0x1  }
0xbf: {  	_ =	sfence.sel $0xFFFF  }
0xc0: {  	[dreg:$0x0] =	wrdreg $0xFFFFFFFF;
	(pc) =	sbr.abs _section_cstart, $3  }
0xc1: {  	[dreg:$0x1] =	wrdreg $0xFFFFFFFF  }
0xc2: {  	_ =	task.clear_ibuf [dreg:s6], $0x2FFFF;
	_ =	strace $0x9FFFFFFF  }
0xc3: {  	(tm) =	ssettm $0x7FFFFFFF  }
tec
execute0_lowered:
.L_overlay_start_1:
0x0: {  	(tag) =	ssettag $0x1  }
0x1: {  	s1 =	rddreg [dreg:$0x0]  }
0x2: {  	s0 =	srdreg.scid;
	s2 =	rddreg [dreg:$0x1]  }
0x3: {  	s11 =	stileid.u32;
	s3 =	rddreg [dreg:$0x2]  }
0x4: {  	s13 =	simm.s32 $0x1400;
	s17 =	simm.s32 $0x1;
	s30 =	simm.s32 $0x5800  }
0x5: {  	s28 =	simm.s32 $0x6;
	s31 =	simm.s32 $0x7;
	s5 =	smul.u32 $0x14000, s11  }
0x6: {  	s29 =	simm.s32 $0x0;
	s0 =	sand.u32 $0x1, s0;
	s8 =	smul.u32 $0x5000, s11  }
0x7: {  	s4 =	sshll.u32 s0, $0x4;
	s9 =	smul.u32 $0x140000, s0;
	s0 =	ssub.s32 $0x2, s0  }
0x8: {  	s6 =	sor.u32 s11, s4;
	s4 =	simm.s32 $0x0;
	s7 =	sshrl.u32 s5, $0x3  }
0x9: {  	s18 =	sshrl.u32 s8, $0x3;
	s20 =	sshrl.u32 s0, $0x1;
	s23 =	sadd.s32 s8, s2  }
0xa: {  	s26 =	sadd.s32 s8, s3;
	s6 =	smul.u32 $0x1400, s6;
	[smem:$0x7FF] =	sst s4  }
0xb: {  	s10 =	sadd.s32 s7, s1;
	s5 =	sadd.s32 s5, s9;
	s19 =	sadd.s32 s18, s1  }
0xc: {  	s0 =	ssub.s32 s0, s20;
	s7 =	sshll.u32 s11, $0x6;
	s14 =	sshrl.u32 s23, $0x3  }
0xd: {  	s16 =	sshrl.u32 s26, $0x3;
	s18 =	simm.s32 $0x4;
	s20 =	simm.s32 $0x2  }
0xe: {  	s23 =	simm.s32 $0x2800;
	s26 =	simm.s32 $0x4800;
	_ =	strace $0x8000004D  }
0xf: {  	s5 =	sshrl.u32 s5, $0x3;
	s24 =	sadd.s32 $0x3E00, s19;
	s25 =	sor.u32 $0x1C03, s7  }
0x10: {  	s10 =	sadd.s32 $0x18E00, s10;
	s12 =	smax.u32 s0, $0x1;
	s15 =	sor.u32 $0x1C04, s7  }
0x11: {  	s19 =	simm.s32 $0x10;
	s0 =	simm.s32 $0x8;
	[dreg:$0x6] =	wrdreg s24  }
.Ltmp0:
0x12: {  	s6 =	sshrl.u32 s6, $0x3;
	[dreg:$0x7] =	wrdreg s25;
	(pc) =	sbr.rel .LBB2_1-.Ltmp0, $4  }
0x13: {  	s24 =	simm.s32 $0x3800;
	s25 =	simm.s32 $0x9;
	s6 =	sadd.s32 s6, s1  }
0x14: {  	s1 =	sadd.s32 s5, s1;
	s21 =	sadd.s32 $0xEE00, s6;
	s22 =	sadd.s32 $0x13E00, s6  }
0x15: {  	s11 =	sadd.s32 $0x40E00, s1;
	s1 =	simm.s32 $0x5;
	[dreg:$0x4] =	wrdreg s21  }
0x16: {  	[dreg:$0x5] =	wrdreg s22;
	s21 =	simm.s32 $0x3;
	s22 =	simm.s32 $0x80  }
.LBB2_4:
0x17: {  	_ =	swait.ge [sflag:s18], $0x1000  }
0x18: {  	[sflag:s18] =	ssyncset.done $0x0  }
0x19: {  	[sflag:s18] =	ssyncadd.s32 $0xFFFFF000  }
0x1a: {  	[spmem:s2] =	stream.indirect.scatter.add.f32 [tilespmem:s30], [sflag:$0x8], $0x20, s8, s22, $0xb8;
	[tilespmem:$0x10820] =	vst v63  }
0x1b: {  	_ =	swait.ge [sflag:s28], $0x1000  }
0x1c: {  	[sflag:s28] =	ssyncset.done $0x0  }
0x1d: {  	[sflag:s28] =	ssyncadd.s32 $0xFFFFF000  }
0x1e: {  	_ =	swait.ge [sflag:s31], $0x1000  }
0x1f: {  	[sflag:s31] =	ssyncset.done $0x0  }
0x20: {  	[sflag:s31] =	ssyncadd.s32 $0xFFFFF000  }
0x21: {  	_ =	swait.ge [sflag:s0], $0x1000  }
0x22: {  	s29 =	sadd.s32 $0x1, s29;
	[sflag:s0] =	ssyncset.done $0x0  }
0x23: {  	p0 =	sne.s32 s29, s12;
	[sflag:s0] =	ssyncadd.s32 $0xFFFFF000  }
.Ltmp1:
0x24: {  	s5 =	sor.u32 $0x1C09, s7;
	[bflag:$0x0] =	sbarrier.arrive $0xFFFF;
	(pc) =	sbr.rel @!p0 .LBB2_5-.Ltmp1, $4  }
0x25: {  	[hbm:s11@s19], [sflag:s5] =	dma.strided [spmem:s14@s18], $0xA00, s17, $0x4   }
0x26: {  	_ =	swait.ge [sflag:s25], $0xA00  }
0x27: {  	[sflag:s25] =	ssyncset.done $0x0  }
0x28: {  	[sflag:s25] =	ssyncadd.s32 $0xFFFFF600  }
.LBB2_1:
0x29: {  	s5 =	rddreg [dreg:$0x4]  }
0x2a: {  	s6 =	rddreg [dreg:$0x5]  }
0x2b: {  	[tilespmem:s4], [sflag:$0x1] =	stream.linear.gather [hbm4b:s5+s4], $0x1400, $0x38;
	[tilespmem:$0x10820] =	vst v63  }
0x2c: {  	s8 =	rddreg [dreg:$0x6]  }
0x2d: {  	[tilespmem:s13], [sflag:$0x2] =	stream.linear.gather [hbm4b:s6+s4], $0x1400, $0x38;
	[tilespmem:$0x10820] =	vst v63  }
0x2e: {  	s6 =	rddreg [dreg:$0x7]  }
0x2f: {  	[spmem:s14], [sflag:s6] =	dma.local [hbm:s8], $0xA00  }
0x30: {  	[spmem:s16@s18], [sflag:s15] =	dma.strided [hbm:s10@s19], $0xA00, s17, $0x4   }
0x31: {  	_ =	swait.ge [sflag:s17], $0x1400  }
0x32: {  	[sflag:s17] =	ssyncset.done $0x0  }
0x33: {  	[sflag:s17] =	ssyncadd.s32 $0xFFFFEC00  }
0x34: {  	_ =	swait.ge [sflag:s20], $0x1400  }
0x35: {  	[sflag:s20] =	ssyncset.done $0x0  }
0x36: {  	[sflag:s20] =	ssyncadd.s32 $0xFFFFEC00  }
0x37: {  	_ =	swait.ge [sflag:s21], $0xA00  }
0x38: {  	[sflag:s21] =	ssyncset.done $0x0  }
0x39: {  	[sflag:s21] =	ssyncadd.s32 $0xFFFFF600  }
0x3a: {  	_ =	swait.ge [sflag:s18], $0xA00  }
0x3b: {  	[sflag:s18] =	ssyncset.done $0x0  }
0x3c: {  	[sflag:s18] =	ssyncadd.s32 $0xFFFFF600  }
0x3d: {  	[bflag:$0x0] =	sbarrier.arrive $0xFFFF  }
0x3e: {  	[tilespmem:s23], [sflag:$0x1] =	stream.indirect.gather [spmem:s3], $0x20, s4, s22, $0xb8;
	[tilespmem:$0x10820] =	vst v63  }
0x3f: {  	_ = 	snop  }
0x40: {  	[tilespmem:s24], [sflag:$0x2] =	stream.indirect.gather [spmem:s3], $0x20, s22, s22, $0xb8;
	[tilespmem:$0x10820] =	vst v63  }
0x41: {  	_ =	swait.ge [sflag:s17], $0x1000  }
0x42: {  	[sflag:s17] =	ssyncset.done $0x0  }
0x43: {  	[sflag:s17] =	ssyncadd.s32 $0xFFFFF000  }
0x44: {  	[spmem:s2] =	stream.indirect.scatter.add.f32 [tilespmem:s23], [sflag:$0x5], $0x20, s13, s22, $0xb8;
	[tilespmem:$0x10820] =	vst v63  }
0x45: {  	s9 =	simm.s32 $0x100  }
0x46: {  	[tilespmem:s26], [sflag:$0x3] =	stream.indirect.gather [spmem:s3], $0x20, s9, s22, $0xb8;
	[tilespmem:$0x10820] =	vst v63  }
0x47: {  	_ =	swait.ge [sflag:s20], $0x1000  }
0x48: {  	[sflag:s20] =	ssyncset.done $0x0  }
0x49: {  	s6 =	simm.s32 $0x1480;
	[sflag:s20] =	ssyncadd.s32 $0xFFFFF000  }
0x4a: {  	[spmem:s2] =	stream.indirect.scatter.add.f32 [tilespmem:s24], [sflag:$0x6], $0x20, s6, s22, $0xb8;
	[tilespmem:$0x10820] =	vst v63  }
0x4b: {  	s8 =	simm.s32 $0x180  }
0x4c: {  	[tilespmem:s30], [sflag:$0x4] =	stream.indirect.gather [spmem:s3], $0x20, s8, s22, $0xb8;
	[tilespmem:$0x10820] =	vst v63  }
0x4d: {  	_ =	swait.ge [sflag:s21], $0x1000  }
0x4e: {  	[sflag:s21] =	ssyncset.done $0x0  }
0x4f: {  	s9 =	simm.s32 $0x1500;
	[sflag:s21] =	ssyncadd.s32 $0xFFFFF000  }
0x50: {  	[spmem:s2] =	stream.indirect.scatter.add.f32 [tilespmem:s26], [sflag:$0x7], $0x20, s9, s22, $0xb8;
	[tilespmem:$0x10820] =	vst v63  }
0x51: {  	_ =	swait.ge [sflag:s1], $0x1000  }
0x52: {  	[sflag:s1] =	ssyncset.done $0x0  }
0x53: {  	s6 =	simm.s32 $0x200;
	[sflag:s1] =	ssyncadd.s32 $0xFFFFF000  }
0x54: {  	[tilespmem:s23], [sflag:$0x1] =	stream.indirect.gather [spmem:s3], $0x20, s6, s22, $0xb8;
	[tilespmem:$0x10820] =	vst v63  }
0x55: {  	_ =	swait.ge [sflag:s18], $0x1000  }
0x56: {  	[sflag:s18] =	ssyncset.done $0x0  }
0x57: {  	s8 =	simm.s32 $0x1580;
	[sflag:s18] =	ssyncadd.s32 $0xFFFFF000  }
0x58: {  	[spmem:s2] =	stream.indirect.scatter.add.f32 [tilespmem:s30], [sflag:$0x8], $0x20, s8, s22, $0xb8;
	[tilespmem:$0x10820] =	vst v63  }
0x59: {  	_ =	swait.ge [sflag:s28], $0x1000  }
0x5a: {  	[sflag:s28] =	ssyncset.done $0x0  }
0x5b: {  	s5 =	simm.s32 $0x0;
	s9 =	simm.s32 $0x280;
	[sflag:s28] =	ssyncadd.s32 $0xFFFFF000  }
0x5c: {  	[tilespmem:s24], [sflag:$0x2] =	stream.indirect.gather [spmem:s3], $0x20, s9, s22, $0xb8;
	[tilespmem:$0x10820] =	vst v63  }
.LBB2_2:
0x5d: {  	_ =	swait.ge [sflag:s17], $0x1000  }
0x5e: {  	s6 =	sshra.s32 s5, $0x2;
	[sflag:s17] =	ssyncset.done $0x0  }
0x5f: {  	s8 =	sadd.s32 $0x1600, s6;
	[sflag:s17] =	ssyncadd.s32 $0xFFFFF000  }
0x60: {  	[spmem:s2] =	stream.indirect.scatter.add.f32 [tilespmem:s23], [sflag:$0x5], $0x20, s8, s22, $0xb8;
	[tilespmem:$0x10820] =	vst v63  }
0x61: {  	_ =	swait.ge [sflag:s31], $0x1000  }
0x62: {  	[sflag:s31] =	ssyncset.done $0x0  }
0x63: {  	s9 =	sadd.s32 $0x300, s6;
	[sflag:s31] =	ssyncadd.s32 $0xFFFFF000  }
0x64: {  	[tilespmem:s26], [sflag:$0x3] =	stream.indirect.gather [spmem:s3], $0x20, s9, s22, $0xb8;
	[tilespmem:$0x10820] =	vst v63  }
0x65: {  	_ =	swait.ge [sflag:s20], $0x1000  }
0x66: {  	[sflag:s20] =	ssyncset.done $0x0  }
0x67: {  	s9 =	sadd.s32 $0x1680, s6;
	[sflag:s20] =	ssyncadd.s32 $0xFFFFF000  }
0x68: {  	[spmem:s2] =	stream.indirect.scatter.add.f32 [tilespmem:s24], [sflag:$0x6], $0x20, s9, s22, $0xb8;
	[tilespmem:$0x10820] =	vst v63  }
0x69: {  	_ =	swait.ge [sflag:s0], $0x1000  }
0x6a: {  	[sflag:s0] =	ssyncset.done $0x0  }
0x6b: {  	s9 =	sadd.s32 $0x380, s6;
	[sflag:s0] =	ssyncadd.s32 $0xFFFFF000  }
0x6c: {  	[tilespmem:s30], [sflag:$0x4] =	stream.indirect.gather [spmem:s3], $0x20, s9, s22, $0xb8;
	[tilespmem:$0x10820] =	vst v63  }
0x6d: {  	_ =	swait.ge [sflag:s21], $0x1000  }
0x6e: {  	p0 =	seq.s32 s5, $0x4000;
	[sflag:s21] =	ssyncset.done $0x0  }
.Ltmp2:
0x6f: {  	s9 =	sadd.s32 $0x1700, s6;
	[sflag:s21] =	ssyncadd.s32 $0xFFFFF000;
	(pc) =	sbr.rel @p0 .LBB2_4-.Ltmp2, $4  }
0x70: {  	[spmem:s2] =	stream.indirect.scatter.add.f32 [tilespmem:s26], [sflag:$0x7], $0x20, s9, s22, $0xb8;
	[tilespmem:$0x10820] =	vst v63  }
0x71: {  	_ =	swait.ge [sflag:s1], $0x1000  }
0x72: {  	[sflag:s1] =	ssyncset.done $0x0  }
0x73: {  	s8 =	sadd.s32 $0x1780, s6;
	[sflag:s1] =	ssyncadd.s32 $0xFFFFF000  }
0x74: {  	s9 =	sadd.s32 $0x400, s6  }
0x75: {  	[tilespmem:s23], [sflag:$0x1] =	stream.indirect.gather [spmem:s3], $0x20, s9, s22, $0xb8;
	[tilespmem:$0x10820] =	vst v63  }
0x76: {  	_ =	swait.ge [sflag:s18], $0x1000  }
0x77: {  	[sflag:s18] =	ssyncset.done $0x0  }
0x78: {  	[sflag:s18] =	ssyncadd.s32 $0xFFFFF000  }
0x79: {  	[spmem:s2] =	stream.indirect.scatter.add.f32 [tilespmem:s30], [sflag:$0x8], $0x20, s8, s22, $0xb8;
	[tilespmem:$0x10820] =	vst v63  }
.Ltmp3:
0x7a: {  	_ = 	snop;
	(pc) =	sbr.rel .LBB2_2-.Ltmp3, $4  }
0x7b: {  	_ =	swait.ge [sflag:s28], $0x1000  }
0x7c: {  	[sflag:s28] =	ssyncset.done $0x0  }
0x7d: {  	s5 =	sadd.s32 $0x800, s5;
	s9 =	sadd.s32 $0x480, s6;
	[sflag:s28] =	ssyncadd.s32 $0xFFFFF000  }
0x7e: {  	[tilespmem:s24], [sflag:$0x2] =	stream.indirect.gather [spmem:s3], $0x20, s9, s22, $0xb8;
	[tilespmem:$0x10820] =	vst v63  }
.LBB2_5:
0x7f: {  	_ =	sfence.sel $0x180000  }
0x80: {  	[bflag:$0x0] =	sbarrier.arrive $0xFFFF  }
0x81: {  	_ =	strace $0x9000004D  }
0x82: {  	s0 =	stileid.u32;
	[bflag:$0x2] =	sbarrier.arrive $0xFFFF  }
0x83: {  	p0 =	sne.s32 s0, $0x0;
	s0 =	rddreg [dreg:$0x3]  }
0x84: {  	s0 =	sadd.s32 @!p0 $0x100000, s0  }
0x85: {  	[sflag:s0] =	ssyncadd.tile.s32 @!p0 $0x1;
	_ =	shalt  }
.Lfunc_end2:
_tile_overlayer_lowered:
.L_overlay_start_2:
0x86: {  	(tag) =	ssettag $0x2  }
0x87: {  	s0 =	rddreg [dreg:$0x0];
	s2 =	stileid.u32  }
0x88: {  	s1 =	rddreg [dreg:$0x1];
	p0 =	sne.s32 s2, $0x0  }
0x89: {  	s3 =	rddreg [dreg:$0x2];
	[bflag:$0x3] =	sbarrier.arrive $0xFFFF;
	s2 =	simm.s32 @!p0 $0x1C09  }
0x8a: {  	[timem:s3], [sflag:s2] =	dma.local @!p0 [hbm:s0], s1  }
0x8b: {  	s0 =	simm.s32 @!p0 $0x9  }
0x8c: {  	_ =	swait.ge @!p0 [sflag:s0], s1  }
0x8d: {  	s1 =	ssub.s32 @!p0 $0x0, s1;
	[sflag:s0] =	ssyncset.done @!p0 $0x0  }
0x8e: {  	[sflag:s0] =	ssyncadd.s32 @!p0 s1  }
0x8f: {  	[bflag:$0x3] =	sbarrier.arrive $0xFFFF  }
0x90: {  	_ =	shalt  }

// kernel: kernel.8.cloned.1.call-start
scs
__scs_entry_jumppad:
0x0: {  	(pc) =	sbr.rel $0x88, $3  }
0x1: {  	(tag) =	ssettag $0x0;
	lr =	simm.s32 $0x1  }
0x2: {  	[smem:$0x3F95] =	sst lr;
	_ =	strace $0xD0000000  }
0x3: {  	_ = 	snop  }
0x4: {  	_ = 	snop  }
0x5: {  	_ = 	snop  }
0x6: {  	_ = 	snop  }
0x7: {  	_ = 	snop  }
__scs_overlays_trampoline_lowered:
0x8: {  	[smem:$0x3FA4] =	sst s0  }
0x9: {  	[smem:$0x3FA5] =	sst s1  }
0xa: {  	[smem:$0x3FA6] =	sst s2  }
0xb: {  	[smem:$0x3FA7] =	sst s3  }
0xc: {  	[smem:$0x3FA8] =	sst s4  }
0xd: {  	[smem:$0x3FA9] =	sst s5  }
0xe: {  	[smem:$0x3FAA] =	sst s6  }
0xf: {  	[smem:$0x3FAB] =	sst s7  }
0x10: {  	[smem:$0x3FAC] =	sst s8  }
0x11: {  	[smem:$0x3FAD] =	sst s9;
	s0 =	simm.s32 @!p0 $0x0  }
0x12: {  	s1 =	sld [smem:$0x3F93];
	s0 =	simm.s32 @p0 $0x1  }
0x13: {  	[smem:$0x3FAE] =	sst s0;
	s0 =	simm.s32 @!p1 $0x0  }
0x14: {  	s2 =	sld [smem:$0x3F92];
	s0 =	simm.s32 @p1 $0x1  }
0x15: {  	[smem:$0x3FAF] =	sst s0;
	s0 =	simm.s32 @!p2 $0x0  }
0x16: {  	s3 =	sld [smem:$0x3FDB];
	s0 =	simm.s32 @p2 $0x1  }
0x17: {  	s4 =	simm.s32 $0x1BF5;
	[smem:$0x3FB1] =	sst s0  }
0x18: {  	s0 =	sld [smem:$0x3F94];
	_ =	swait.ge [sflag:s4], $0x0  }
0x19: {  	s7 =	sld [smem:$0x3F95]  }
0x1a: {  	s8 =	sadd.s32 $0xFFFFE003, lr  }
0x1b: {  	s9 =	sadd.s32 $0xFFFFFEF7, lr;
	s5 =	simm.s32 $0xFFFFFFFF;
	p2 =	slt.u32 s8, $0xFFFFF086  }
0x1c: {  	p1 =	slt.u32 s9, $0xF7A;
	s5 =	simm.s32 @!p2 $0x0  }
0x1d: {  	s5 =	simm.s32 @p1 $0x1;
	p0 =	seq.s32 s7, s2  }
0x1e: {  	s7 =	smul.u32 @!p0 $0xF7A, s2;
	p2 =	seq.s32 @!p0 s5, $0x0  }
0x1f: {  	s9 =	smul.u32 $0xF7A, s1;
	s8 =	simm.s32 @!p0 $0x1BF5;
	p2 =	por !p2, p0  }
0x20: {  	[sflag:s8] =	ssyncset.s32 @!p0 $0xFFFFF086;
	s6 =	sadd.s32 @!p0 s3, s7;
	s7 =	simm.s32 @!p0 $0x108  }
0x21: {  	s3 =	sadd.s32 s3, s9;
	s6 =	sadd.s32 @!p0 $0x88, s6;
	s7 =	simm.s32 @p2 $0x1082  }
0x22: {  	[simem:s7], [sflag:s8] =	dma.local @!p0 [hbm:s6], $0xF7A  }
0x23: {  	s9 =	sor.u32 $0xD0000000, s2;
	s6 =	simm.s32 $0x108;
	_ =	swait.ge @!p0 [sflag:s8], $0x0  }
0x24: {  	s3 =	sadd.s32 $0x88, s3;
	s6 =	simm.s32 @!p1 $0x1082;
	[sflag:s4] =	ssyncset.s32 $0xFFFFF086  }
0x25: {  	[simem:s6], [sflag:s4] =	dma.local [hbm:s3], $0xF7A  }
0x26: {  	[smem:$0x3F95] =	sst s1;
	(tag) =	ssettag s2;
	_ =	strace s9  }
0x27: {  	s1 =	sld [smem:$0x3FA5]  }
0x28: {  	s2 =	sld [smem:$0x3FA6]  }
0x29: {  	s4 =	sld [smem:$0x3FA8]  }
0x2a: {  	p0 =	seq.s32 s5, $0x0;
	s5 =	sld [smem:$0x3FA9]  }
0x2b: {  	s6 =	sld [smem:$0x3FAA]  }
0x2c: {  	s7 =	sld [smem:$0x3FAB]  }
0x2d: {  	s3 =	simm.s32 $0x108;
	s8 =	sld [smem:$0x3FAC]  }
0x2e: {  	s3 =	simm.s32 @!p0 $0x1082;
	s9 =	sld [smem:$0x3FAD]  }
0x2f: {  	lr =	sadd.s32 s0, s3;
	s0 =	sld [smem:$0x3FA4]  }
0x30: {  	s3 =	sld [smem:$0x3FA7]  }
0x31: {  	[smem:$0x3FB0] =	sst s10  }
0x32: {  	s10 =	sld [smem:$0x3FAE];
	_ =	sdelay $0x3  }
0x33: {  	p0 =	seq.s32 s10, $0x1;
	s10 =	sld [smem:$0x3FB0];
	_ =	sdelay $0x3  }
0x34: {  	[smem:$0x3FB0] =	sst s10  }
0x35: {  	s10 =	sld [smem:$0x3FAF];
	_ =	sdelay $0x3  }
0x36: {  	p1 =	seq.s32 s10, $0x1;
	s10 =	sld [smem:$0x3FB0];
	_ =	sdelay $0x3  }
0x37: {  	[smem:$0x3FB0] =	sst s10  }
0x38: {  	s10 =	sld [smem:$0x3FB1]  }
0x39: {  	_ = 	snop;
	(pc) =	sbr.ind lr, $3  }
0x3a: {  	_ = 	snop  }
0x3b: {  	_ = 	snop  }
0x3c: {  	p2 =	seq.s32 s10, $0x1;
	s10 =	sld [smem:$0x3FB0]  }
0x3d: {  	_ =	shalt  }
0x3e: {  	_ =	shalt  }
0x3f: {  	_ =	shalt  }
0x40: {  	_ =	shalt  }
0x41: {  	_ =	shalt  }
0x42: {  	_ =	shalt  }
0x43: {  	_ =	shalt  }
0x44: {  	_ =	shalt  }
0x45: {  	_ =	shalt  }
0x46: {  	_ =	shalt  }
0x47: {  	_ =	shalt  }
0x48: {  	_ =	shalt  }
0x49: {  	_ =	shalt  }
0x4a: {  	_ =	shalt  }
0x4b: {  	_ =	shalt  }
0x4c: {  	_ =	shalt  }
0x4d: {  	_ =	shalt  }
0x4e: {  	_ =	shalt  }
0x4f: {  	_ =	shalt  }
0x50: {  	_ =	shalt  }
0x51: {  	_ =	shalt  }
0x52: {  	_ =	shalt  }
0x53: {  	_ =	shalt  }
0x54: {  	_ =	shalt  }
0x55: {  	_ =	shalt  }
0x56: {  	_ =	shalt  }
0x57: {  	_ =	shalt  }
0x58: {  	_ =	shalt  }
0x59: {  	_ =	shalt  }
0x5a: {  	_ =	shalt  }
0x5b: {  	_ =	shalt  }
0x5c: {  	_ =	shalt  }
0x5d: {  	_ =	shalt  }
0x5e: {  	_ =	shalt  }
0x5f: {  	_ =	shalt  }
0x60: {  	_ =	shalt  }
0x61: {  	_ =	shalt  }
0x62: {  	_ =	shalt  }
0x63: {  	_ =	shalt  }
0x64: {  	_ =	shalt  }
0x65: {  	_ =	shalt  }
0x66: {  	_ =	shalt  }
0x67: {  	_ =	shalt  }
0x68: {  	_ =	shalt  }
0x69: {  	_ =	shalt  }
0x6a: {  	_ =	shalt  }
0x6b: {  	_ =	shalt  }
0x6c: {  	_ =	shalt  }
0x6d: {  	_ =	shalt  }
0x6e: {  	_ =	shalt  }
0x6f: {  	_ =	shalt  }
0x70: {  	_ =	shalt  }
0x71: {  	_ =	shalt  }
0x72: {  	_ =	shalt  }
0x73: {  	_ =	shalt  }
0x74: {  	_ =	shalt  }
0x75: {  	_ =	shalt  }
0x76: {  	_ =	shalt  }
0x77: {  	_ =	shalt  }
0x78: {  	_ =	shalt  }
0x79: {  	_ =	shalt  }
0x7a: {  	_ =	shalt  }
0x7b: {  	_ =	shalt  }
0x7c: {  	_ =	shalt  }
0x7d: {  	_ =	shalt  }
0x7e: {  	_ =	shalt  }
0x7f: {  	_ =	shalt  }
0x80: {  	_ =	shalt  }
0x81: {  	_ =	shalt  }
0x82: {  	_ =	shalt  }
0x83: {  	_ =	shalt  }
0x84: {  	_ =	shalt  }
0x85: {  	_ =	shalt  }
0x86: {  	_ =	shalt  }
0x87: {  	_ =	shalt  }
.Lfunc_end0:
.L_simem_size_0:
called_computation_lowered:
.L_overlay_start_0:
0x88: {  	s2 =	sld [smem:$0x3FD9]  }
0x89: {  	s3 =	sld [smem:$0x3FFE];
	_ =	sdelay $0x1  }
0x8a: {  	s1 =	srdreg.scid  }
0x8b: {  	s0 =	sand.u32 $0x1, s1  }
0x8c: {  	s16 =	sshll.u32 s0, $0xA;
	s2 =	sadd.s32 s3, s2  }
0x8d: {  	s2 =	sadd.s32 s2, s16  }
0x8e: {  	[smem:$0x3FBC] =	sst s2  }
0x8f: {  	_ = 	snop  }
0x90: {  	(tm) =	ssettm $0x1  }
0x91: {  	s17 =	sld [smem:$0x3FFB];
	_ =	sdelay $0x3  }
0x92: {  	_ =	strace s17  }
0x93: {  	s2 =	sld [smem:$0x3FFC];
	_ =	sdelay $0x3  }
0x94: {  	_ =	strace s2  }
0x95: {  	s2 =	sld [smem:$0x3FFD];
	_ =	sdelay $0x3  }
0x96: {  	_ =	strace s2  }
0x97: {  	_ =	strace $0x8FFFFFFF  }
0x98: {  	s18 =	sld [smem:$0x3FDB];
	_ =	sdelay $0x1  }
0x99: {  	s19 =	simm.s32 $_scs_section_size  }
0x9a: {  	s4 =	simm.s32 $_size__tile_overlayer_lowered;
	s5 =	simm.s32 $_tile_overlayer_lowered  }
0x9b: {  	s22 =	simm.s32 $0x1BFF;
	s21 =	sshll.u32 s5, $0x1;
	s2 =	sadd.s32 s19, s18  }
0x9c: {  	s6 =	simm.s32 $0x0;
	s20 =	sshll.u32 s4, $0x1;
	s4 =	sadd.s32 s21, s2  }
0x9d: {  	[timem:s6], [sflag:s22] =	dma.local [hbm:s4], s20  }
0x9e: {  	_ =	swait.ge [sflag:s22], s20  }
0x9f: {  	s3 =	ssub.s32 $0x0, s20;
	[sflag:s22] =	ssyncset.done $0x0  }
0xa0: {  	[sflag:s22] =	ssyncadd.s32 s3;
	_ =	sdelay $0x1  }
0xa1: {  	s23 =	simm.s32 $0x1B8B  }
0xa2: {  	_ =	swait.ge [sflag:s23], $0x1  }
0xa3: {  	[sflag:s23] =	ssyncset.done $0x0  }
0xa4: {  	s25 =	simm.s32 $0x1B8E;
	s24 =	sld [smem:$0x3FFE];
	[sflag:s23] =	ssyncadd.s32 $0xFFFFFFFF  }
0xa5: {  	s26 =	simm.s32 $execute0_lowered;
	[smem:$0x3FD2] =	sst s25  }
0xa6: {  	s4 =	sshll.u32 s26, $0x1;
	_ =	strace $0x80000046;
	[dreg:$0x1] =	wrdreg $0xFFFFFFFF  }
0xa7: {  	s28 =	simm.s32 $_size_execute0_lowered;
	s2 =	sadd.s32 s2, s4;
	[dreg:$0x0] =	wrdreg $0x0  }
0xa8: {  	s4 =	sshll.u32 s28, $0x1;
	[dreg:$0x2] =	wrdreg s2  }
0xa9: {  	[dreg:$0x3] =	wrdreg s4  }
0xaa: {  	[dreg:$0x4] =	wrdreg $0xC0  }
0xab: {  	_ =	task [dreg:s6], $0x5FFFF  }
0xac: {  	[dreg:$0x1] =	wrdreg $0xFFFFFFFF  }
0xad: {  	[dreg:$0x0] =	wrdreg $0x60  }
0xae: {  	[dreg:$0x2] =	wrdreg s24  }
0xaf: {  	[dreg:$0x3] =	wrdreg $0x14800  }
0xb0: {  	[dreg:$0x4] =	wrdreg $0x9  }
0xb1: {  	_ =	task.clear_ibuf [dreg:s6], $0x5FFFF;
	_ =	strace $0x90000046  }
0xb2: {  	s29 =	simm.s32 $0x9;
	_ =	strace $0x80000048  }
0xb3: {  	_ =	swait.ge [sflag:s29], $0x1  }
0xb4: {  	[sflag:s29] =	ssyncadd.s32 $0xFFFFFFFF  }
0xb5: {  	_ =	strace $0x90000048  }
0xb6: {  	_ =	sfence  }
0xb7: {  	s30 =	sld [smem:$0x0];
	_ =	sdelay $0x2  }
0xb8: {  	s31 =	sshll.u32 s1, $0xD;
	s1 =	sshrl.u32 s1, $0x2  }
0xb9: {  	s3 =	sand.u32 $0x4000, s31;
	s1 =	sadd.s32 s1, s30  }
0xba: {  	s0 =	sor.u32 s3, s0;
	s1 =	sshll.u32 s1, $0x11  }
0xbb: {  	s0 =	sor.u32 s1, s0  }
0xbc: {  	s0 =	sadd.s32 $0x8F2B, s0  }
0xbd: {  	[sflag:s0] =	ssyncadd.remote.s32 $0x1  }
0xbe: {  	_ =	sfence.sel $0xFFFF  }
0xbf: {  	[dreg:$0x0] =	wrdreg $0xFFFFFFFF;
	(pc) =	sbr.abs _section_cstart, $3  }
0xc0: {  	[dreg:$0x1] =	wrdreg $0xFFFFFFFF  }
0xc1: {  	_ =	task.clear_ibuf [dreg:s6], $0x2FFFF;
	_ =	strace $0x9FFFFFFF  }
0xc2: {  	(tm) =	ssettm $0x7FFFFFFF  }
0xc3: {  	_ =	shalt  }
tec
execute0_lowered:
.L_overlay_start_1:
0x0: {  	(tag) =	ssettag $0x1  }
0x1: {  	s4 =	rddreg [dreg:$0x0]  }
0x2: {  	s2 =	rddreg [dreg:$0x1];
	s3 =	srdreg.scid  }
0x3: {  	s0 =	rddreg [dreg:$0x2];
	s1 =	stileid.u32;
	s11 =	simm.s32 $0x80  }
0x4: {  	s12 =	simm.s32 $0x1400;
	s13 =	simm.s32 $0x20;
	s14 =	simm.s32 $0x10  }
0x5: {  	s15 =	simm.s32 $0x0;
	s5 =	sand.u32 $0x1, s3;
	s6 =	smul.u32 $0x280, s1  }
0x6: {  	s3 =	simm.s32 $0x0;
	s8 =	smul.u32 $0x500, s1;
	s31 =	sshll.u32 s1, $0x6  }
0x7: {  	s7 =	sshll.u32 s5, $0x4;
	[smem:$0x7FF] =	sst s3;
	s10 =	sshll.u32 s5, $0x7  }
0x8: {  	s5 =	ssub.s32 $0x2, s5;
	s7 =	sor.u32 s1, s7;
	s9 =	sshrl.u32 s6, $0x3  }
0x9: {  	_ =	strace $0x80000047;
	s8 =	sor.u32 s10, s8;
	s28 =	sshrl.u32 s5, $0x1  }
0xa: {  	s30 =	sadd.s32 s6, s2;
	s7 =	smul.u32 $0x1400, s7;
	s9 =	sadd.s32 s9, s4  }
0xb: {  	s8 =	sshrl.u32 s8, $0x3;
	s29 =	ssub.s32 s5, s28;
	s10 =	sshrl.u32 s30, $0x3  }
0xc: {  	s8 =	sadd.s32 s8, s4;
	s5 =	sadd.s32 $0xDE00, s9;
	s7 =	sshrl.u32 s7, $0x3  }
0xd: {  	s9 =	sor.u32 $0x1C01, s31;
	s6 =	sadd.s32 $0xE400, s8;
	s4 =	sadd.s32 s4, s7  }
0xe: {  	v0 =	vimm.f32 $1.000000000e+00;
	s8 =	simm.s32 $0x1;
	s7 =	smax.u32 s29, $0x1;
	s4 =	sadd.s32 $0x8E00, s4  }
.LBB2_1:
0xf: {  	[tilespmem:s3], [sflag:$0x1] =	stream.linear.gather [hbm4b:s4+s3], $0x1400, $0x38;
	[tilespmem:$0x1708] =	vst v63  }
0x10: {  	_ =	swait.ge [sflag:s8], $0x1400  }
0x11: {  	[sflag:s8] =	ssyncset.done $0x0  }
0x12: {  	[sflag:s8] =	ssyncadd.s32 $0xFFFFEC00  }
0x13: {  	[tilespmem:$0x1400] =	vst v0  }
0x14: {  	[tilespmem:$0x1410] =	vst v0  }
0x15: {  	[tilespmem:$0x1420] =	vst v0  }
0x16: {  	[tilespmem:$0x1430] =	vst v0  }
0x17: {  	[tilespmem:$0x1440] =	vst v0  }
0x18: {  	[tilespmem:$0x1450] =	vst v0  }
0x19: {  	[tilespmem:$0x1460] =	vst v0  }
0x1a: {  	[tilespmem:$0x1470] =	vst v0  }
0x1b: {  	[spmem:s10], [sflag:s9] =	dma.local [hbm:s5], $0x50  }
0x1c: {  	_ =	swait.ge [sflag:s8], $0x50  }
0x1d: {  	[sflag:s8] =	ssyncset.done $0x0  }
0x1e: {  	[sflag:s8] =	ssyncadd.s32 $0xFFFFFFB0  }
0x1f: {  	s16 =	simm.s32 $0x0;
	[bflag:$0x0] =	sbarrier.arrive $0xFFFF  }
0x20: {  	[spmem:s2] =	stream.indirect.scatter.add.f32 [tilespmem:s12], [sflag:$0x1], $0x1, s16, s11, $0xb8;
	[tilespmem:$0x1708] =	vst v63  }
0x21: {  	_ =	swait.ge [sflag:s8], $0x80  }
0x22: {  	s16 =	simm.s32 $0x200;
	[sflag:s8] =	ssyncset.done $0x0  }
.LBB2_2:
0x23: {  	s17 =	sshra.s32 s16, $0x2;
	[sflag:s8] =	ssyncadd.s32 $0xFFFFFF80;
	p0 =	sne.s32 s16, $0x4E00  }
0x24: {  	[spmem:s2] =	stream.indirect.scatter.add.f32 [tilespmem:s12], [sflag:$0x1], $0x1, s17, s11, $0xb8;
	[tilespmem:$0x1708] =	vst v63  }
.Ltmp0:
0x25: {  	_ = 	snop;
	(pc) =	sbr.rel @p0 .LBB2_2-.Ltmp0, $4  }
0x26: {  	_ = 	snop  }
0x27: {  	s16 =	sadd.s32 $0x200, s16  }
0x28: {  	_ =	swait.ge [sflag:s8], $0x80  }
0x29: {  	[sflag:s8] =	ssyncset.done $0x0  }
0x2a: {  	s15 =	sadd.s32 $0x1, s15  }
0x2b: {  	[sflag:s8] =	ssyncadd.s32 $0xFFFFFF80;
	p0 =	sne.s32 s15, s7  }
.Ltmp1:
0x2c: {  	[bflag:$0x0] =	sbarrier.arrive $0xFFFF;
	(pc) =	sbr.rel @p0 .LBB2_1-.Ltmp1, $4  }
0x2d: {  	[hbm:s6@s13], [sflag:s9] =	dma.strided [spmem:s10@s14], $0x50, s8, $0x10   }
0x2e: {  	_ =	swait.ge [sflag:s8], $0x50  }
0x2f: {  	[sflag:s8] =	ssyncset.done $0x0  }
0x30: {  	[sflag:s8] =	ssyncadd.s32 $0xFFFFFFB0  }
0x31: {  	_ =	sfence.sel $0x180000  }
0x32: {  	[bflag:$0x0] =	sbarrier.arrive $0xFFFF  }
0x33: {  	p0 =	sne.s32 s1, $0x0;
	_ =	strace $0x90000047  }
0x34: {  	s0 =	sadd.s32 @!p0 $0x100000, s0;
	[bflag:$0x2] =	sbarrier.arrive $0xFFFF  }
0x35: {  	[sflag:s0] =	ssyncadd.tile.s32 @!p0 $0x1;
	_ =	shalt  }
.Lfunc_end2:
_tile_overlayer_lowered:
.L_overlay_start_2:
0x36: {  	(tag) =	ssettag $0x2  }
0x37: {  	s0 =	rddreg [dreg:$0x0];
	s2 =	stileid.u32  }
0x38: {  	s1 =	rddreg [dreg:$0x1];
	p0 =	sne.s32 s2, $0x0  }
0x39: {  	s3 =	rddreg [dreg:$0x2];
	[bflag:$0x3] =	sbarrier.arrive $0xFFFF;
	s2 =	simm.s32 @!p0 $0x1C01  }
0x3a: {  	[timem:s3], [sflag:s2] =	dma.local @!p0 [hbm:s0], s1  }
0x3b: {  	s0 =	simm.s32 @!p0 $0x1  }
0x3c: {  	_ =	swait.ge @!p0 [sflag:s0], s1  }
0x3d: {  	s1 =	ssub.s32 @!p0 $0x0, s1;
	[sflag:s0] =	ssyncset.done @!p0 $0x0  }
0x3e: {  	[sflag:s0] =	ssyncadd.s32 @!p0 s1  }
0x3f: {  	[bflag:$0x3] =	sbarrier.arrive $0xFFFF  }
0x40: {  	_ =	shalt  }

</sc_bundles>
